<compile_context>
chip_gen: v7x
topology: tpu7x:2x2x1
jax: 0.10.2.dev20260603
libtpu: 0.0.44.dev20260713+nightly
codegen_flags: <defaults>
</compile_context>

<pallas_src>
import functools

import jax
import jax.numpy as jnp
import numpy as np
from jax import lax
from jax.experimental import pallas as pl
from jax.experimental.pallas import tpu as pltpu
from jax.experimental.pallas import tpu_sc as plsc

N = 50000
E = 800000
T = 1600000
D = 16
PACK = 16
DBIG = D * PACK
CUTOFF2 = 36.0

NC = 2
NS = 16
NW = NC * NS
NPAD = 50048
ROWS_PT = NPAD // NS

E_PT = E // NW
T_PT = T // NW
KG = 1000
KS = 1000
KC = 1000

_SC_PARAMS = pltpu.CompilerParams(use_tc_tiling_on_sc=False)

_PU = np.zeros((4, 16), np.float32)
_PW = np.zeros((4, 16), np.float32)
for _c in range(3):
    _PU[_c, 4 * _c:4 * _c + 4] = 1.0
    _PW[_c, _c::4] = 1.0
_DYAD_LANES = np.array([0, 1, 2, 4, 5, 6, 8, 9, 10], np.int32)



def _mlp_t_body(x_ref, w0, b0, w1, b1, w2, b2, wo, bo, out_ref):
    h = x_ref[...]
    h = _softplus(jnp.dot(w0[...], h, preferred_element_type=jnp.float32) + b0[...])
    h = _softplus(jnp.dot(w1[...], h, preferred_element_type=jnp.float32) + b1[...])
    h = _softplus(jnp.dot(w2[...], h, preferred_element_type=jnp.float32) + b2[...])
    o = jnp.dot(wo[...], h, preferred_element_type=jnp.float32) + bo[...]
    out_ref[...] = o.reshape(o.shape[1])


def _softplus(x):
    return jnp.maximum(x, 0.0) + jnp.log1p(jnp.exp(-jnp.abs(x)))


def _mlp_t(xT, W0, b0, W1, b1, W2, b2, Wo, bo, cols_blk=5120):
    R = xT.shape[1]
    grid = (pl.cdiv(R, cols_blk),)
    wspec = pl.BlockSpec((D, D), lambda i: (0, 0))
    bspec = pl.BlockSpec((D, 1), lambda i: (0, 0))
    wospec = pl.BlockSpec((1, D), lambda i: (0, 0))
    bospec = pl.BlockSpec((1, 1), lambda i: (0, 0))
    return pl.pallas_call(
        _mlp_t_body,
        grid=grid,
        in_specs=[
            pl.BlockSpec((D, cols_blk), lambda i: (0, i)),
            wspec, bspec, wspec, bspec, wspec, bspec, wospec, bospec,
        ],
        out_specs=pl.BlockSpec((cols_blk,), lambda i: (i,)),
        out_shape=jax.ShapeDtypeStruct((R,), jnp.float32),
    )(xT, W0.T, b0[:, None], W1.T, b1[:, None], W2.T, b2[:, None],
      Wo.T, bo[:, None])



def _geo_body(a, b, sh, fe128, pu, pw, qq, ts, mdu, mdw):
    hp = lax.Precision.HIGHEST
    d = a[...] - b[...] + sh[...]
    d2 = jnp.dot(d * d, qq[...], preferred_element_type=jnp.float32, precision=hp)
    ir = lax.rsqrt(d2)
    u = jnp.dot(d, pu[...], preferred_element_type=jnp.float32, precision=hp)
    w = jnp.dot(d, pw[...], preferred_element_type=jnp.float32, precision=hp)
    fe = fe128[...]
    ir2 = ir * ir
    ts[...] = fe * u * w * ir2
    m = jnp.where(d2 < CUTOFF2, ir, 0.0)
    mdu[...] = u * m
    mdw[...] = w * m


def _geometry(a128, b128, sh128, fe128, rows_blk=2000):
    E8 = E // 8
    grid = (E8 // rows_blk,)
    spec128 = pl.BlockSpec((rows_blk, 128), lambda i: (i, 0))
    specp = pl.BlockSpec((128, 128), lambda i: (0, 0))
    shp = jax.ShapeDtypeStruct((E8, 128), jnp.float32)

    def bd(m16):
        out = np.zeros((128, 128), np.float32)
        for k in range(8):
            out[16 * k:16 * k + 16, 16 * k:16 * k + 16] = m16
        return jnp.asarray(out)

    pu16 = np.zeros((16, 16), np.float32)
    pw16 = np.zeros((16, 16), np.float32)
    for c in range(3):
        pu16[c, 4 * c:4 * c + 4] = 1.0
        pw16[c, c::4] = 1.0
    q16 = np.zeros((16, 16), np.float32)
    q16[0:4, :] = 1.0
    return pl.pallas_call(
        _geo_body,
        grid=grid,
        in_specs=[spec128, spec128, spec128, spec128, specp, specp, specp],
        out_specs=[spec128, spec128, spec128],
        out_shape=[shp, shp, shp],
    )(a128, b128, sh128, fe128, bd(pu16), bd(pw16), bd(q16))



def _gather_body(pos16, iidx, jidx, a16_out, b16_out, i_v, j_v, a_v, b_v):
    c = lax.axis_index("c")
    s = lax.axis_index("s")
    wid = s * NC + c

    def chunk(k, _):
        base = wid * E_PT + k * KG
        pltpu.sync_copy(iidx.at[pl.ds(base, KG)], i_v)
        pltpu.sync_copy(jidx.at[pl.ds(base, KG)], j_v)
        pltpu.sync_copy(pos16.at[i_v], a_v)
        pltpu.sync_copy(pos16.at[j_v], b_v)
        pltpu.sync_copy(a_v, a16_out.at[pl.ds(base, KG)])
        pltpu.sync_copy(b_v, b16_out.at[pl.ds(base, KG)])
        return 0

    lax.fori_loop(0, E_PT // KG, chunk, 0)


def _gather_sc(pos16, iidx, jidx):
    mesh = plsc.VectorSubcoreMesh(core_axis_name="c", subcore_axis_name="s",
                                  num_cores=NC, num_subcores=NS)
    f = pl.kernel(
        _gather_body,
        out_type=[
            jax.ShapeDtypeStruct((E, 16), jnp.float32),
            jax.ShapeDtypeStruct((E, 16), jnp.float32),
        ],
        mesh=mesh,
        compiler_params=_SC_PARAMS,
        scratch_types=[
            pltpu.VMEM((KG,), jnp.int32),
            pltpu.VMEM((KG,), jnp.int32),
            pltpu.VMEM((KG, 16), jnp.float32),
            pltpu.VMEM((KG, 16), jnp.float32),
        ],
    )
    return f(pos16, iidx, jidx)



def _scatter_body(ts16, iidx, mdu, mdw, kj, ji, jj, ft,
                  accs_out,
                  acc, idx_v, pay_v, kj_v, ji_v, jj_v, ft_v, u_v, w_v):
    c = lax.axis_index("c")
    s = lax.axis_index("s")
    wid = s * NC + c

    zero = jnp.zeros((16,), jnp.float32)

    def zrow(r, _):
        pay_v[r] = zero
        return 0

    lax.fori_loop(0, KS, zrow, 0)
    r0 = s * ROWS_PT
    done = 0
    while done < ROWS_PT:
        step = min(KS, ROWS_PT - done)
        pltpu.sync_copy(pay_v.at[pl.ds(0, step)], acc.at[pl.ds(r0 + done, step)])
        done += step
    plsc.subcore_barrier()

    def sym_chunk(k, _):
        base = wid * E_PT + k * KS
        pltpu.sync_copy(iidx.at[pl.ds(base, KS)], idx_v)
        pltpu.sync_copy(ts16.at[pl.ds(base, KS)], pay_v)
        pltpu.sync_copy(pay_v, acc.at[idx_v], add=True)
        return 0

    lax.fori_loop(0, E_PT // KS, sym_chunk, 0)

    def cross_chunk(k, _):
        base = wid * T_PT + k * KC
        pltpu.sync_copy(kj.at[pl.ds(base, KC)], kj_v)
        pltpu.sync_copy(ji.at[pl.ds(base, KC)], ji_v)
        pltpu.sync_copy(jj.at[pl.ds(base, KC)], jj_v)
        pltpu.sync_copy(ft.at[pl.ds(base, KC)], ft_v.at[pl.ds(0, KC)])
        pltpu.sync_copy(mdu.at[kj_v], u_v)
        pltpu.sync_copy(mdw.at[ji_v], w_v)

        def row(r, _):
            v = ft_v[pl.ds(r, 16)]
            pay_v[r] = u_v[r] * w_v[r] * jnp.full((16,), v[0], jnp.float32)
            return 0

        lax.fori_loop(0, KC, row, 0)
        pltpu.sync_copy(pay_v, acc.at[jj_v], add=True)
        return 0

    lax.fori_loop(0, T_PT // KC, cross_chunk, 0)

    plsc.subcore_barrier()
    pltpu.sync_copy(acc.at[pl.ds(s * ROWS_PT, ROWS_PT)],
                    accs_out.at[c, pl.ds(s * ROWS_PT, ROWS_PT)])


def _scatter_sc(ts16, iidx, mdu, mdw, kj, ji, jj, ft):
    mesh = plsc.VectorSubcoreMesh(core_axis_name="c", subcore_axis_name="s",
                                  num_cores=NC, num_subcores=NS)
    f = pl.kernel(
        _scatter_body,
        out_type=[jax.ShapeDtypeStruct((NC, NPAD, 16), jnp.float32)],
        mesh=mesh,
        compiler_params=_SC_PARAMS,
        scratch_types=[
            pltpu.VMEM_SHARED((NPAD, 16), jnp.float32),
            pltpu.VMEM((KS,), jnp.int32),
            pltpu.VMEM((KS, 16), jnp.float32),
            pltpu.VMEM((KC,), jnp.int32),
            pltpu.VMEM((KC,), jnp.int32),
            pltpu.VMEM((KC,), jnp.int32),
            pltpu.VMEM((KC + 16,), jnp.float32),
            pltpu.VMEM((KC, 16), jnp.float32),
            pltpu.VMEM((KC, 16), jnp.float32),
        ],
    )
    return f(ts16, iidx, mdu, mdw, kj, ji, jj, ft)[0]



def kernel(pos, edge_index, nbr_shift, edge_attr, triplet_attr, triplet_index,
           We0, be0, We1, be1, We2, be2, Weo, beo,
           Wt0, bt0, Wt1, bt1, Wt2, bt2, Wto, bto):
    fe = _mlp_t(edge_attr.T, We0, be0, We1, be1, We2, be2, Weo, beo)
    ft = _mlp_t(triplet_attr.T, Wt0, bt0, Wt1, bt1, Wt2, bt2, Wto, bto)

    pos16 = jnp.pad(pos, ((0, 0), (0, 13)))
    j = edge_index[0]
    i = edge_index[1]
    a16, b16 = _gather_sc(pos16, i, j)

    sh128 = jnp.pad(nbr_shift, ((0, 0), (0, 13))).reshape(E // 8, 128)
    a128 = a16.reshape(E // 8, 128)
    b128 = b16.reshape(E // 8, 128)
    fe128 = jnp.repeat(fe, 16).reshape(E // 8, 128)
    ts128, mdu128, mdw128 = _geometry(a128, b128, sh128, fe128)
    ts16 = ts128.reshape(E, 16)
    mdu = mdu128.reshape(E, 16)
    mdw = mdw128.reshape(E, 16)

    jj = triplet_index[1]
    kj = triplet_index[3]
    ji = triplet_index[4]
    accs = _scatter_sc(ts16, i, mdu, mdw, kj, ji, jj, ft)

    born16 = accs[0] + accs[1]
    return born16[:N, jnp.asarray(_DYAD_LANES)]

# --- scband reference (transcript-rebuilt; emitter-appended) ---
"""Pipeline reference for scband-born-35502199669494 (READ-ONLY COPY).

The authoritative reference and input builder live on the scoring server;
editing this copy changes nothing except your own understanding.
"""

import jax, jax.numpy as jnp
import numpy as np

N = 50000
E = 800000
T = 1600000
D = 16
CUTOFF = 6.0


def _dense_reg(x, Ws, bs, Wo, bo):
    h = x
    for W, b in zip(Ws, bs):
        h = jax.nn.softplus(h @ W + b)
    return h @ Wo + bo


def setup_inputs(seed: int = 0):
    key = jax.random.key(seed)
    ks = jax.random.split(key, 24)
    inp = {}
    inp['pos'] = jax.random.normal(ks[0], (N, 3), jnp.float32) * 5.0
    inp['edge_index'] = jax.random.randint(ks[1], (2, E), 0, N, jnp.int32)
    inp['nbr_shift'] = jax.random.normal(ks[2], (E, 3), jnp.float32) * 0.1
    inp['edge_attr'] = jax.random.normal(ks[3], (E, D), jnp.float32)
    inp['triplet_attr'] = jax.random.normal(ks[4], (T, D), jnp.float32)
    inp['triplet_index'] = jax.random.randint(ks[5], (5, T), 0, N, jnp.int32)
    s = 1.0 / np.sqrt(D)
    for p, off in (('e', 6), ('t', 14)):
        for l in range(3):
            inp['W' + p + str(l)] = jax.random.uniform(ks[off + 2 * l], (D, D), jnp.float32, -s, s)
            inp['b' + p + str(l)] = jax.random.uniform(ks[off + 2 * l + 1], (D,), jnp.float32, -s, s)
        inp['W' + p + 'o'] = jax.random.uniform(ks[off + 6], (D, 1), jnp.float32, -s, s)
        inp['b' + p + 'o'] = jax.random.uniform(ks[off + 7], (1,), jnp.float32, -s, s)
    return inp


def reference(pos, edge_index, nbr_shift, edge_attr, triplet_attr, triplet_index,
              We0, be0, We1, be1, We2, be2, Weo, beo,
              Wt0, bt0, Wt1, bt1, Wt2, bt2, Wto, bto):
    j = edge_index[0]
    i = edge_index[1]
    edge_dir = pos[i] + nbr_shift - pos[j]
    edge_length = jnp.sqrt(jnp.sum(edge_dir ** 2, axis=-1))
    edge_dir = edge_dir / edge_length[:, None]
    dyad_ji_ji = (edge_dir[:, :, None] * edge_dir[:, None, :]).reshape(-1, 9)
    temp_sym = _dense_reg(edge_attr, [We0, We1, We2], [be0, be1, be2], Weo, beo) * dyad_ji_ji
    born_sym = jax.ops.segment_sum(temp_sym, i, num_segments=N)
    idx_i, idx_j, idx_k, idx_kj, idx_ji = triplet_index
    dyad_kj_ji = (edge_dir[idx_kj][:, :, None] * edge_dir[idx_ji][:, None, :]).reshape(-1, 9)
    mask = ((edge_length[idx_kj] < CUTOFF) & (edge_length[idx_ji] < CUTOFF)).astype(jnp.float32)[:, None]
    temp_cross = _dense_reg(triplet_attr, [Wt0, Wt1, Wt2], [bt0, bt1, bt2], Wto, bto) * mask * dyad_kj_ji
    born_cross = jax.ops.segment_sum(temp_cross, idx_j, num_segments=N)
    return born_sym + born_cross

if __name__ == "__main__":
    import jax
    _d = setup_inputs()
    print(jax.jit(kernel)(*tuple(_d.values())))

</pallas_src>

<mosaic_0001>
#map = affine_map<(d0, d1) -> (0, 0)>
#map1 = affine_map<(d0, d1) -> (0)>
#map2 = affine_map<(d0, d1) -> (0, 0, 0)>
module attributes {stable_mosaic.version = 14 : i64} {
  func.func @_scatter_body(%arg0: i32, %arg1: i32, %arg2: memref<800000x16xf32, #tpu.memory_space<hbm>>, %arg3: memref<800000xi32, #tpu.memory_space<hbm>>, %arg4: memref<800000x16xf32, #tpu.memory_space<hbm>>, %arg5: memref<800000x16xf32, #tpu.memory_space<hbm>>, %arg6: memref<1600000xi32, #tpu.memory_space<hbm>>, %arg7: memref<1600000xi32, #tpu.memory_space<hbm>>, %arg8: memref<1600000xi32, #tpu.memory_space<hbm>>, %arg9: memref<1600000xf32, #tpu.memory_space<hbm>>, %arg10: memref<2x50048x16xf32, #tpu.memory_space<hbm>>, %arg11: memref<50048x16xf32, #tpu.memory_space<vmem_shared>>, %arg12: memref<1000xi32, #tpu.memory_space<vmem>>, %arg13: memref<1000x16xf32, #tpu.memory_space<vmem>>, %arg14: memref<1000xi32, #tpu.memory_space<vmem>>, %arg15: memref<1000xi32, #tpu.memory_space<vmem>>, %arg16: memref<1000xi32, #tpu.memory_space<vmem>>, %arg17: memref<1016xf32, #tpu.memory_space<vmem>>, %arg18: memref<1000x16xf32, #tpu.memory_space<vmem>>, %arg19: memref<1000x16xf32, #tpu.memory_space<vmem>>) attributes {dimension_semantics = [#tpu.dimension_semantics<core_parallel>, #tpu.dimension_semantics<subcore_parallel>], iteration_bounds = array<i64: 2, 16>, scalar_prefetch = 0 : i64, scratch_operands = 9 : i64, tpu.core_type = #tpu.core_type<sc_vector_subcore>, window_params = [{transform_indices = #map}, {transform_indices = #map1}, {transform_indices = #map}, {transform_indices = #map}, {transform_indices = #map1}, {transform_indices = #map1}, {transform_indices = #map1}, {transform_indices = #map1}, {transform_indices = #map2}]} {
    %mul3A = arith.constant 2 : i32
    %mul3A_0 = arith.muli %arg1, %mul3A : i32
    %add3A = arith.addi %mul3A_0, %arg0 : i32
    %broadcast_in_dim3A = arith.constant 0.000000e+00 : f32
    %broadcast_in_dim3A_1 = vector.broadcast %broadcast_in_dim3A : f32 to vector<16xf32>
    %scan3A = arith.constant 0 : i32
    %scan3A_2 = arith.constant 0 : i32
    %scan3A_3 = arith.constant 1000 : i32
    %scan3A_4 = arith.addi %scan3A_2, %scan3A_3 : i32
    %scan3A_5 = arith.constant 1 : i32
    %scan3A_6 = scf.for %scan3A_37 = %scan3A_2 to %scan3A_4 step %scan3A_5 iter_args(%scan3A_38 = %scan3A) -> (i32)  : i32 {
      %swap3A = arith.index_cast %scan3A_37 : i32 to index
      %swap3A_39 = arith.constant 0 : index
      %swap3A_40 = tpu.vector_load %arg13[%swap3A, %swap3A_39] {strides = array<i32>} : memref<1000x16xf32, #tpu.memory_space<vmem>>, vector<1x16xf32>,
      %swap3A_41 = vector.shape_cast %swap3A_40 : vector<1x16xf32> to vector<16xf32>
      %swap3A_42 = vector.shape_cast %broadcast_in_dim3A_1 : vector<16xf32> to vector<1x16xf32>
      tpu.vector_store %arg13[%swap3A, %swap3A_39], %swap3A_42 {strides = array<i32>} : memref<1000x16xf32, #tpu.memory_space<vmem>>, vector<1x16xf32>,
      %scan3A_43 = arith.constant 0 : i32
      scf.yield %scan3A_43 : i32
    }
    %scan3A_7 = arith.constant 1000 : i32
    %mul3A_8 = arith.constant 3128 : i32
    %mul3A_9 = arith.muli %arg1, %mul3A_8 : i32
    %add3A_10 = arith.constant 0 : i32
    %add3A_11 = arith.addi %mul3A_9, %add3A_10 : i32
    "tpu.region"() ({
      %run_scoped3A = tpu.sem_alloc : memref<!tpu.dma_semaphore, #tpu.memory_space<semaphore_mem>>
      %dma_start3A = arith.constant 0 : i32
      %dma_start3A_37 = arith.constant 0 : i32
      %dma_start3A_38 = tpu.memref_slice %arg13[%dma_start3A, %dma_start3A_37] : memref<1000x16xf32, #tpu.memory_space<vmem>> -> memref<1000x16xf32, #tpu.memory_space<vmem>>
      %dma_start3A_39 = arith.constant 0 : i32
      %dma_start3A_40 = tpu.memref_slice %arg11[%add3A_11, %dma_start3A_39] : memref<50048x16xf32, #tpu.memory_space<vmem_shared>> -> memref<1000x16xf32, #tpu.memory_space<vmem_shared>>
      %dma_start3A_41 = arith.constant 0 : i32
      %dma_start3A_42 = tpu.memref_slice %arg11[%add3A_11, %dma_start3A_41] : memref<50048x16xf32, #tpu.memory_space<vmem_shared>> -> memref<1000x16xf32, #tpu.memory_space<vmem_shared>>
      %dma_start3A_43 = arith.constant 0 : i32
      %dma_start3A_44 = arith.constant 0 : i32
      %dma_start3A_45 = tpu.memref_slice %arg13[%dma_start3A_43, %dma_start3A_44] : memref<1000x16xf32, #tpu.memory_space<vmem>> -> memref<1000x16xf32, #tpu.memory_space<vmem>>
      tpu.enqueue_dma source(%dma_start3A_45 : memref<1000x16xf32, #tpu.memory_space<vmem>>) target(%dma_start3A_42 : memref<1000x16xf32, #tpu.memory_space<vmem_shared>>) target_semaphore(%run_scoped3A : memref<!tpu.dma_semaphore, #tpu.memory_space<semaphore_mem>>)
      %dma_wait3A = arith.constant 0 : i32
      %dma_wait3A_46 = arith.constant 0 : i32
      %dma_wait3A_47 = tpu.memref_slice %arg13[%dma_wait3A, %dma_wait3A_46] : memref<1000x16xf32, #tpu.memory_space<vmem>> -> memref<1000x16xf32, #tpu.memory_space<vmem>>
      %dma_wait3A_48 = arith.constant 0 : i32
      %dma_wait3A_49 = tpu.memref_slice %arg11[%add3A_11, %dma_wait3A_48] : memref<50048x16xf32, #tpu.memory_space<vmem_shared>> -> memref<1000x16xf32, #tpu.memory_space<vmem_shared>>
      %dma_wait3A_50 = arith.constant 0 : i32
      %dma_wait3A_51 = tpu.memref_slice %arg11[%add3A_11, %dma_wait3A_50] : memref<50048x16xf32, #tpu.memory_space<vmem_shared>> -> memref<1000x16xf32, #tpu.memory_space<vmem_shared>>
      %dma_wait3A_52 = arith.constant 0 : i32
      %dma_wait3A_53 = arith.constant 0 : i32
      %dma_wait3A_54 = tpu.memref_slice %arg13[%dma_wait3A_52, %dma_wait3A_53] : memref<1000x16xf32, #tpu.memory_space<vmem>> -> memref<1000x16xf32, #tpu.memory_space<vmem>>
      tpu.wait_dma2 semaphore(%run_scoped3A : memref<!tpu.dma_semaphore, #tpu.memory_space<semaphore_mem>>) src(%dma_wait3A_54 : memref<1000x16xf32, #tpu.memory_space<vmem>>) dst(%dma_wait3A_51 : memref<1000x16xf32, #tpu.memory_space<vmem_shared>>)
      tpu.yield
    }) : () -> ()
    %add3A_12 = arith.constant 1000 : i32
    %add3A_13 = arith.addi %mul3A_9, %add3A_12 : i32
    "tpu.region"() ({
      %run_scoped3A = tpu.sem_alloc : memref<!tpu.dma_semaphore, #tpu.memory_space<semaphore_mem>>
      %dma_start3A = arith.constant 0 : i32
      %dma_start3A_37 = arith.constant 0 : i32
      %dma_start3A_38 = tpu.memref_slice %arg13[%dma_start3A, %dma_start3A_37] : memref<1000x16xf32, #tpu.memory_space<vmem>> -> memref<1000x16xf32, #tpu.memory_space<vmem>>
      %dma_start3A_39 = arith.constant 0 : i32
      %dma_start3A_40 = tpu.memref_slice %arg11[%add3A_13, %dma_start3A_39] : memref<50048x16xf32, #tpu.memory_space<vmem_shared>> -> memref<1000x16xf32, #tpu.memory_space<vmem_shared>>
      %dma_start3A_41 = arith.constant 0 : i32
      %dma_start3A_42 = tpu.memref_slice %arg11[%add3A_13, %dma_start3A_41] : memref<50048x16xf32, #tpu.memory_space<vmem_shared>> -> memref<1000x16xf32, #tpu.memory_space<vmem_shared>>
      %dma_start3A_43 = arith.constant 0 : i32
      %dma_start3A_44 = arith.constant 0 : i32
      %dma_start3A_45 = tpu.memref_slice %arg13[%dma_start3A_43, %dma_start3A_44] : memref<1000x16xf32, #tpu.memory_space<vmem>> -> memref<1000x16xf32, #tpu.memory_space<vmem>>
      tpu.enqueue_dma source(%dma_start3A_45 : memref<1000x16xf32, #tpu.memory_space<vmem>>) target(%dma_start3A_42 : memref<1000x16xf32, #tpu.memory_space<vmem_shared>>) target_semaphore(%run_scoped3A : memref<!tpu.dma_semaphore, #tpu.memory_space<semaphore_mem>>)
      %dma_wait3A = arith.constant 0 : i32
      %dma_wait3A_46 = arith.constant 0 : i32
      %dma_wait3A_47 = tpu.memref_slice %arg13[%dma_wait3A, %dma_wait3A_46] : memref<1000x16xf32, #tpu.memory_space<vmem>> -> memref<1000x16xf32, #tpu.memory_space<vmem>>
      %dma_wait3A_48 = arith.constant 0 : i32
      %dma_wait3A_49 = tpu.memref_slice %arg11[%add3A_13, %dma_wait3A_48] : memref<50048x16xf32, #tpu.memory_space<vmem_shared>> -> memref<1000x16xf32, #tpu.memory_space<vmem_shared>>
      %dma_wait3A_50 = arith.constant 0 : i32
      %dma_wait3A_51 = tpu.memref_slice %arg11[%add3A_13, %dma_wait3A_50] : memref<50048x16xf32, #tpu.memory_space<vmem_shared>> -> memref<1000x16xf32, #tpu.memory_space<vmem_shared>>
      %dma_wait3A_52 = arith.constant 0 : i32
      %dma_wait3A_53 = arith.constant 0 : i32
      %dma_wait3A_54 = tpu.memref_slice %arg13[%dma_wait3A_52, %dma_wait3A_53] : memref<1000x16xf32, #tpu.memory_space<vmem>> -> memref<1000x16xf32, #tpu.memory_space<vmem>>
      tpu.wait_dma2 semaphore(%run_scoped3A : memref<!tpu.dma_semaphore, #tpu.memory_space<semaphore_mem>>) src(%dma_wait3A_54 : memref<1000x16xf32, #tpu.memory_space<vmem>>) dst(%dma_wait3A_51 : memref<1000x16xf32, #tpu.memory_space<vmem_shared>>)
      tpu.yield
    }) : () -> ()
    %add3A_14 = arith.constant 2000 : i32
    %add3A_15 = arith.addi %mul3A_9, %add3A_14 : i32
    "tpu.region"() ({
      %run_scoped3A = tpu.sem_alloc : memref<!tpu.dma_semaphore, #tpu.memory_space<semaphore_mem>>
      %dma_start3A = arith.constant 0 : i32
      %dma_start3A_37 = arith.constant 0 : i32
      %dma_start3A_38 = tpu.memref_slice %arg13[%dma_start3A, %dma_start3A_37] : memref<1000x16xf32, #tpu.memory_space<vmem>> -> memref<1000x16xf32, #tpu.memory_space<vmem>>
      %dma_start3A_39 = arith.constant 0 : i32
      %dma_start3A_40 = tpu.memref_slice %arg11[%add3A_15, %dma_start3A_39] : memref<50048x16xf32, #tpu.memory_space<vmem_shared>> -> memref<1000x16xf32, #tpu.memory_space<vmem_shared>>
      %dma_start3A_41 = arith.constant 0 : i32
      %dma_start3A_42 = tpu.memref_slice %arg11[%add3A_15, %dma_start3A_41] : memref<50048x16xf32, #tpu.memory_space<vmem_shared>> -> memref<1000x16xf32, #tpu.memory_space<vmem_shared>>
      %dma_start3A_43 = arith.constant 0 : i32
      %dma_start3A_44 = arith.constant 0 : i32
      %dma_start3A_45 = tpu.memref_slice %arg13[%dma_start3A_43, %dma_start3A_44] : memref<1000x16xf32, #tpu.memory_space<vmem>> -> memref<1000x16xf32, #tpu.memory_space<vmem>>
      tpu.enqueue_dma source(%dma_start3A_45 : memref<1000x16xf32, #tpu.memory_space<vmem>>) target(%dma_start3A_42 : memref<1000x16xf32, #tpu.memory_space<vmem_shared>>) target_semaphore(%run_scoped3A : memref<!tpu.dma_semaphore, #tpu.memory_space<semaphore_mem>>)
      %dma_wait3A = arith.constant 0 : i32
      %dma_wait3A_46 = arith.constant 0 : i32
      %dma_wait3A_47 = tpu.memref_slice %arg13[%dma_wait3A, %dma_wait3A_46] : memref<1000x16xf32, #tpu.memory_space<vmem>> -> memref<1000x16xf32, #tpu.memory_space<vmem>>
      %dma_wait3A_48 = arith.constant 0 : i32
      %dma_wait3A_49 = tpu.memref_slice %arg11[%add3A_15, %dma_wait3A_48] : memref<50048x16xf32, #tpu.memory_space<vmem_shared>> -> memref<1000x16xf32, #tpu.memory_space<vmem_shared>>
      %dma_wait3A_50 = arith.constant 0 : i32
      %dma_wait3A_51 = tpu.memref_slice %arg11[%add3A_15, %dma_wait3A_50] : memref<50048x16xf32, #tpu.memory_space<vmem_shared>> -> memref<1000x16xf32, #tpu.memory_space<vmem_shared>>
      %dma_wait3A_52 = arith.constant 0 : i32
      %dma_wait3A_53 = arith.constant 0 : i32
      %dma_wait3A_54 = tpu.memref_slice %arg13[%dma_wait3A_52, %dma_wait3A_53] : memref<1000x16xf32, #tpu.memory_space<vmem>> -> memref<1000x16xf32, #tpu.memory_space<vmem>>
      tpu.wait_dma2 semaphore(%run_scoped3A : memref<!tpu.dma_semaphore, #tpu.memory_space<semaphore_mem>>) src(%dma_wait3A_54 : memref<1000x16xf32, #tpu.memory_space<vmem>>) dst(%dma_wait3A_51 : memref<1000x16xf32, #tpu.memory_space<vmem_shared>>)
      tpu.yield
    }) : () -> ()
    %add3A_16 = arith.constant 3000 : i32
    %add3A_17 = arith.addi %mul3A_9, %add3A_16 : i32
    "tpu.region"() ({
      %run_scoped3A = tpu.sem_alloc : memref<!tpu.dma_semaphore, #tpu.memory_space<semaphore_mem>>
      %dma_start3A = arith.constant 0 : i32
      %dma_start3A_37 = arith.constant 0 : i32
      %dma_start3A_38 = tpu.memref_slice %arg13[%dma_start3A, %dma_start3A_37] : memref<1000x16xf32, #tpu.memory_space<vmem>> -> memref<128x16xf32, #tpu.memory_space<vmem>>
      %dma_start3A_39 = arith.constant 0 : i32
      %dma_start3A_40 = tpu.memref_slice %arg11[%add3A_17, %dma_start3A_39] : memref<50048x16xf32, #tpu.memory_space<vmem_shared>> -> memref<128x16xf32, #tpu.memory_space<vmem_shared>>
      %dma_start3A_41 = arith.constant 0 : i32
      %dma_start3A_42 = tpu.memref_slice %arg11[%add3A_17, %dma_start3A_41] : memref<50048x16xf32, #tpu.memory_space<vmem_shared>> -> memref<128x16xf32, #tpu.memory_space<vmem_shared>>
      %dma_start3A_43 = arith.constant 0 : i32
      %dma_start3A_44 = arith.constant 0 : i32
      %dma_start3A_45 = tpu.memref_slice %arg13[%dma_start3A_43, %dma_start3A_44] : memref<1000x16xf32, #tpu.memory_space<vmem>> -> memref<128x16xf32, #tpu.memory_space<vmem>>
      tpu.enqueue_dma source(%dma_start3A_45 : memref<128x16xf32, #tpu.memory_space<vmem>>) target(%dma_start3A_42 : memref<128x16xf32, #tpu.memory_space<vmem_shared>>) target_semaphore(%run_scoped3A : memref<!tpu.dma_semaphore, #tpu.memory_space<semaphore_mem>>)
      %dma_wait3A = arith.constant 0 : i32
      %dma_wait3A_46 = arith.constant 0 : i32
      %dma_wait3A_47 = tpu.memref_slice %arg13[%dma_wait3A, %dma_wait3A_46] : memref<1000x16xf32, #tpu.memory_space<vmem>> -> memref<128x16xf32, #tpu.memory_space<vmem>>
      %dma_wait3A_48 = arith.constant 0 : i32
      %dma_wait3A_49 = tpu.memref_slice %arg11[%add3A_17, %dma_wait3A_48] : memref<50048x16xf32, #tpu.memory_space<vmem_shared>> -> memref<128x16xf32, #tpu.memory_space<vmem_shared>>
      %dma_wait3A_50 = arith.constant 0 : i32
      %dma_wait3A_51 = tpu.memref_slice %arg11[%add3A_17, %dma_wait3A_50] : memref<50048x16xf32, #tpu.memory_space<vmem_shared>> -> memref<128x16xf32, #tpu.memory_space<vmem_shared>>
      %dma_wait3A_52 = arith.constant 0 : i32
      %dma_wait3A_53 = arith.constant 0 : i32
      %dma_wait3A_54 = tpu.memref_slice %arg13[%dma_wait3A_52, %dma_wait3A_53] : memref<1000x16xf32, #tpu.memory_space<vmem>> -> memref<128x16xf32, #tpu.memory_space<vmem>>
      tpu.wait_dma2 semaphore(%run_scoped3A : memref<!tpu.dma_semaphore, #tpu.memory_space<semaphore_mem>>) src(%dma_wait3A_54 : memref<128x16xf32, #tpu.memory_space<vmem>>) dst(%dma_wait3A_51 : memref<128x16xf32, #tpu.memory_space<vmem_shared>>)
      tpu.yield
    }) : () -> ()
    %barrier3A = arith.constant 0 : index
    tpu.barrier barrier_id(%barrier3A)
    %scan3A_18 = arith.constant 0 : i32
    %scan3A_19 = arith.constant 0 : i32
    %scan3A_20 = arith.constant 25 : i32
    %scan3A_21 = arith.addi %scan3A_19, %scan3A_20 : i32
    %scan3A_22 = arith.constant 1 : i32
    %scan3A_23 = scf.for %scan3A_37 = %scan3A_19 to %scan3A_21 step %scan3A_22 iter_args(%scan3A_38 = %scan3A_18) -> (i32)  : i32 {
      %mul3A_39 = arith.constant 25000 : i32
      %mul3A_40 = arith.muli %add3A, %mul3A_39 : i32
      %mul3A_41 = arith.constant 1000 : i32
      %mul3A_42 = arith.muli %scan3A_37, %mul3A_41 : i32
      %add3A_43 = arith.addi %mul3A_40, %mul3A_42 : i32
      "tpu.region"() ({
        %run_scoped3A = tpu.sem_alloc : memref<!tpu.dma_semaphore, #tpu.memory_space<semaphore_mem>>
        %dma_start3A = tpu.memref_slice %arg3[%add3A_43] : memref<800000xi32, #tpu.memory_space<hbm>> -> memref<1000xi32, #tpu.memory_space<hbm>>
        %dma_start3A_45 = tpu.memref_slice %arg3[%add3A_43] : memref<800000xi32, #tpu.memory_space<hbm>> -> memref<1000xi32, #tpu.memory_space<hbm>>
        tpu.enqueue_dma source(%dma_start3A_45 : memref<1000xi32, #tpu.memory_space<hbm>>) target(%arg12 : memref<1000xi32, #tpu.memory_space<vmem>>) target_semaphore(%run_scoped3A : memref<!tpu.dma_semaphore, #tpu.memory_space<semaphore_mem>>)
        %dma_wait3A = tpu.memref_slice %arg3[%add3A_43] : memref<800000xi32, #tpu.memory_space<hbm>> -> memref<1000xi32, #tpu.memory_space<hbm>>
        %dma_wait3A_46 = tpu.memref_slice %arg3[%add3A_43] : memref<800000xi32, #tpu.memory_space<hbm>> -> memref<1000xi32, #tpu.memory_space<hbm>>
        tpu.wait_dma2 semaphore(%run_scoped3A : memref<!tpu.dma_semaphore, #tpu.memory_space<semaphore_mem>>) src(%dma_wait3A_46 : memref<1000xi32, #tpu.memory_space<hbm>>) dst(%arg12 : memref<1000xi32, #tpu.memory_space<vmem>>)
        tpu.yield
      }) : () -> ()
      "tpu.region"() ({
        %run_scoped3A = tpu.sem_alloc : memref<!tpu.dma_semaphore, #tpu.memory_space<semaphore_mem>>
        %dma_start3A = arith.constant 0 : i32
        %dma_start3A_45 = tpu.memref_slice %arg2[%add3A_43, %dma_start3A] : memref<800000x16xf32, #tpu.memory_space<hbm>> -> memref<1000x16xf32, #tpu.memory_space<hbm>>
        %dma_start3A_46 = arith.constant 0 : i32
        %dma_start3A_47 = tpu.memref_slice %arg2[%add3A_43, %dma_start3A_46] : memref<800000x16xf32, #tpu.memory_space<hbm>> -> memref<1000x16xf32, #tpu.memory_space<hbm>>
        tpu.enqueue_dma source(%dma_start3A_47 : memref<1000x16xf32, #tpu.memory_space<hbm>>) target(%arg13 : memref<1000x16xf32, #tpu.memory_space<vmem>>) target_semaphore(%run_scoped3A : memref<!tpu.dma_semaphore, #tpu.memory_space<semaphore_mem>>)
        %dma_wait3A = arith.constant 0 : i32
        %dma_wait3A_48 = tpu.memref_slice %arg2[%add3A_43, %dma_wait3A] : memref<800000x16xf32, #tpu.memory_space<hbm>> -> memref<1000x16xf32, #tpu.memory_space<hbm>>
        %dma_wait3A_49 = arith.constant 0 : i32
        %dma_wait3A_50 = tpu.memref_slice %arg2[%add3A_43, %dma_wait3A_49] : memref<800000x16xf32, #tpu.memory_space<hbm>> -> memref<1000x16xf32, #tpu.memory_space<hbm>>
        tpu.wait_dma2 semaphore(%run_scoped3A : memref<!tpu.dma_semaphore, #tpu.memory_space<semaphore_mem>>) src(%dma_wait3A_50 : memref<1000x16xf32, #tpu.memory_space<hbm>>) dst(%arg13 : memref<1000x16xf32, #tpu.memory_space<vmem>>)
        tpu.yield
      }) : () -> ()
      "tpu.region"() ({
        %run_scoped3A = tpu.sem_alloc : memref<!tpu.dma_semaphore, #tpu.memory_space<semaphore_mem>>
        %dma_start3A = arith.constant 0 : i32
        %dma_start3A_45 = arith.constant 0 : i32
        %dma_start3A_46 = tpu.memref_slice %arg11[%dma_start3A, %dma_start3A_45] : memref<50048x16xf32, #tpu.memory_space<vmem_shared>> -> memref<50048x16xf32, #tpu.memory_space<vmem_shared>>
        tpu.enqueue_indirect_dma source(%arg13 : memref<1000x16xf32, #tpu.memory_space<vmem>>) target(%dma_start3A_46 : memref<50048x16xf32, #tpu.memory_space<vmem_shared>>) offsets(%arg12 : memref<1000xi32, #tpu.memory_space<vmem>>) semaphore(%run_scoped3A : memref<!tpu.dma_semaphore, #tpu.memory_space<semaphore_mem>>) {add = true}
        %dma_wait3A = arith.constant 0 : i32
        %dma_wait3A_47 = arith.constant 0 : i32
        %dma_wait3A_48 = tpu.memref_slice %arg11[%dma_wait3A, %dma_wait3A_47] : memref<50048x16xf32, #tpu.memory_space<vmem_shared>> -> memref<50048x16xf32, #tpu.memory_space<vmem_shared>>
        tpu.wait_indirect_dma semaphore(%run_scoped3A : memref<!tpu.dma_semaphore, #tpu.memory_space<semaphore_mem>>) src(%arg13 : memref<1000x16xf32, #tpu.memory_space<vmem>>) dst(%dma_wait3A_48 : memref<50048x16xf32, #tpu.memory_space<vmem_shared>>)
        tpu.yield
      }) : () -> ()
      %scan3A_44 = arith.constant 0 : i32
      scf.yield %scan3A_44 : i32
    }
    %scan3A_24 = arith.constant 25 : i32
    %scan3A_25 = arith.constant 0 : i32
    %scan3A_26 = arith.constant 0 : i32
    %scan3A_27 = arith.constant 50 : i32
    %scan3A_28 = arith.addi %scan3A_26, %scan3A_27 : i32
    %scan3A_29 = arith.constant 1 : i32
    %scan3A_30 = scf.for %scan3A_37 = %scan3A_26 to %scan3A_28 step %scan3A_29 iter_args(%scan3A_38 = %scan3A_25) -> (i32)  : i32 {
      %mul3A_39 = arith.constant 50000 : i32
      %mul3A_40 = arith.muli %add3A, %mul3A_39 : i32
      %mul3A_41 = arith.constant 1000 : i32
      %mul3A_42 = arith.muli %scan3A_37, %mul3A_41 : i32
      %add3A_43 = arith.addi %mul3A_40, %mul3A_42 : i32
      "tpu.region"() ({
        %run_scoped3A = tpu.sem_alloc : memref<!tpu.dma_semaphore, #tpu.memory_space<semaphore_mem>>
        %dma_start3A = tpu.memref_slice %arg6[%add3A_43] : memref<1600000xi32, #tpu.memory_space<hbm>> -> memref<1000xi32, #tpu.memory_space<hbm>>
        %dma_start3A_52 = tpu.memref_slice %arg6[%add3A_43] : memref<1600000xi32, #tpu.memory_space<hbm>> -> memref<1000xi32, #tpu.memory_space<hbm>>
        tpu.enqueue_dma source(%dma_start3A_52 : memref<1000xi32, #tpu.memory_space<hbm>>) target(%arg14 : memref<1000xi32, #tpu.memory_space<vmem>>) target_semaphore(%run_scoped3A : memref<!tpu.dma_semaphore, #tpu.memory_space<semaphore_mem>>)
        %dma_wait3A = tpu.memref_slice %arg6[%add3A_43] : memref<1600000xi32, #tpu.memory_space<hbm>> -> memref<1000xi32, #tpu.memory_space<hbm>>
        %dma_wait3A_53 = tpu.memref_slice %arg6[%add3A_43] : memref<1600000xi32, #tpu.memory_space<hbm>> -> memref<1000xi32, #tpu.memory_space<hbm>>
        tpu.wait_dma2 semaphore(%run_scoped3A : memref<!tpu.dma_semaphore, #tpu.memory_space<semaphore_mem>>) src(%dma_wait3A_53 : memref<1000xi32, #tpu.memory_space<hbm>>) dst(%arg14 : memref<1000xi32, #tpu.memory_space<vmem>>)
        tpu.yield
      }) : () -> ()
      "tpu.region"() ({
        %run_scoped3A = tpu.sem_alloc : memref<!tpu.dma_semaphore, #tpu.memory_space<semaphore_mem>>
        %dma_start3A = tpu.memref_slice %arg7[%add3A_43] : memref<1600000xi32, #tpu.memory_space<hbm>> -> memref<1000xi32, #tpu.memory_space<hbm>>
        %dma_start3A_52 = tpu.memref_slice %arg7[%add3A_43] : memref<1600000xi32, #tpu.memory_space<hbm>> -> memref<1000xi32, #tpu.memory_space<hbm>>
        tpu.enqueue_dma source(%dma_start3A_52 : memref<1000xi32, #tpu.memory_space<hbm>>) target(%arg15 : memref<1000xi32, #tpu.memory_space<vmem>>) target_semaphore(%run_scoped3A : memref<!tpu.dma_semaphore, #tpu.memory_space<semaphore_mem>>)
        %dma_wait3A = tpu.memref_slice %arg7[%add3A_43] : memref<1600000xi32, #tpu.memory_space<hbm>> -> memref<1000xi32, #tpu.memory_space<hbm>>
        %dma_wait3A_53 = tpu.memref_slice %arg7[%add3A_43] : memref<1600000xi32, #tpu.memory_space<hbm>> -> memref<1000xi32, #tpu.memory_space<hbm>>
        tpu.wait_dma2 semaphore(%run_scoped3A : memref<!tpu.dma_semaphore, #tpu.memory_space<semaphore_mem>>) src(%dma_wait3A_53 : memref<1000xi32, #tpu.memory_space<hbm>>) dst(%arg15 : memref<1000xi32, #tpu.memory_space<vmem>>)
        tpu.yield
      }) : () -> ()
      "tpu.region"() ({
        %run_scoped3A = tpu.sem_alloc : memref<!tpu.dma_semaphore, #tpu.memory_space<semaphore_mem>>
        %dma_start3A = tpu.memref_slice %arg8[%add3A_43] : memref<1600000xi32, #tpu.memory_space<hbm>> -> memref<1000xi32, #tpu.memory_space<hbm>>
        %dma_start3A_52 = tpu.memref_slice %arg8[%add3A_43] : memref<1600000xi32, #tpu.memory_space<hbm>> -> memref<1000xi32, #tpu.memory_space<hbm>>
        tpu.enqueue_dma source(%dma_start3A_52 : memref<1000xi32, #tpu.memory_space<hbm>>) target(%arg16 : memref<1000xi32, #tpu.memory_space<vmem>>) target_semaphore(%run_scoped3A : memref<!tpu.dma_semaphore, #tpu.memory_space<semaphore_mem>>)
        %dma_wait3A = tpu.memref_slice %arg8[%add3A_43] : memref<1600000xi32, #tpu.memory_space<hbm>> -> memref<1000xi32, #tpu.memory_space<hbm>>
        %dma_wait3A_53 = tpu.memref_slice %arg8[%add3A_43] : memref<1600000xi32, #tpu.memory_space<hbm>> -> memref<1000xi32, #tpu.memory_space<hbm>>
        tpu.wait_dma2 semaphore(%run_scoped3A : memref<!tpu.dma_semaphore, #tpu.memory_space<semaphore_mem>>) src(%dma_wait3A_53 : memref<1000xi32, #tpu.memory_space<hbm>>) dst(%arg16 : memref<1000xi32, #tpu.memory_space<vmem>>)
        tpu.yield
      }) : () -> ()
      "tpu.region"() ({
        %run_scoped3A = tpu.sem_alloc : memref<!tpu.dma_semaphore, #tpu.memory_space<semaphore_mem>>
        %dma_start3A = arith.constant 0 : i32
        %dma_start3A_52 = tpu.memref_slice %arg17[%dma_start3A] : memref<1016xf32, #tpu.memory_space<vmem>> -> memref<1000xf32, #tpu.memory_space<vmem>>
        %dma_start3A_53 = tpu.memref_slice %arg9[%add3A_43] : memref<1600000xf32, #tpu.memory_space<hbm>> -> memref<1000xf32, #tpu.memory_space<hbm>>
        %dma_start3A_54 = arith.constant 0 : i32
        %dma_start3A_55 = tpu.memref_slice %arg17[%dma_start3A_54] : memref<1016xf32, #tpu.memory_space<vmem>> -> memref<1000xf32, #tpu.memory_space<vmem>>
        %dma_start3A_56 = tpu.memref_slice %arg9[%add3A_43] : memref<1600000xf32, #tpu.memory_space<hbm>> -> memref<1000xf32, #tpu.memory_space<hbm>>
        tpu.enqueue_dma source(%dma_start3A_56 : memref<1000xf32, #tpu.memory_space<hbm>>) target(%dma_start3A_55 : memref<1000xf32, #tpu.memory_space<vmem>>) target_semaphore(%run_scoped3A : memref<!tpu.dma_semaphore, #tpu.memory_space<semaphore_mem>>)
        %dma_wait3A = arith.constant 0 : i32
        %dma_wait3A_57 = tpu.memref_slice %arg17[%dma_wait3A] : memref<1016xf32, #tpu.memory_space<vmem>> -> memref<1000xf32, #tpu.memory_space<vmem>>
        %dma_wait3A_58 = tpu.memref_slice %arg9[%add3A_43] : memref<1600000xf32, #tpu.memory_space<hbm>> -> memref<1000xf32, #tpu.memory_space<hbm>>
        %dma_wait3A_59 = arith.constant 0 : i32
        %dma_wait3A_60 = tpu.memref_slice %arg17[%dma_wait3A_59] : memref<1016xf32, #tpu.memory_space<vmem>> -> memref<1000xf32, #tpu.memory_space<vmem>>
        %dma_wait3A_61 = tpu.memref_slice %arg9[%add3A_43] : memref<1600000xf32, #tpu.memory_space<hbm>> -> memref<1000xf32, #tpu.memory_space<hbm>>
        tpu.wait_dma2 semaphore(%run_scoped3A : memref<!tpu.dma_semaphore, #tpu.memory_space<semaphore_mem>>) src(%dma_wait3A_61 : memref<1000xf32, #tpu.memory_space<hbm>>) dst(%dma_wait3A_60 : memref<1000xf32, #tpu.memory_space<vmem>>)
        tpu.yield
      }) : () -> ()
      "tpu.region"() ({
        %run_scoped3A = tpu.sem_alloc : memref<!tpu.dma_semaphore, #tpu.memory_space<semaphore_mem>>
        %dma_start3A = arith.constant 0 : i32
        %dma_start3A_52 = arith.constant 0 : i32
        %dma_start3A_53 = tpu.memref_slice %arg4[%dma_start3A, %dma_start3A_52] : memref<800000x16xf32, #tpu.memory_space<hbm>> -> memref<800000x16xf32, #tpu.memory_space<hbm>>
        tpu.enqueue_indirect_dma source(%dma_start3A_53 : memref<800000x16xf32, #tpu.memory_space<hbm>>) target(%arg18 : memref<1000x16xf32, #tpu.memory_space<vmem>>) offsets(%arg14 : memref<1000xi32, #tpu.memory_space<vmem>>) semaphore(%run_scoped3A : memref<!tpu.dma_semaphore, #tpu.memory_space<semaphore_mem>>)
        %dma_wait3A = arith.constant 0 : i32
        %dma_wait3A_54 = arith.constant 0 : i32
        %dma_wait3A_55 = tpu.memref_slice %arg4[%dma_wait3A, %dma_wait3A_54] : memref<800000x16xf32, #tpu.memory_space<hbm>> -> memref<800000x16xf32, #tpu.memory_space<hbm>>
        tpu.wait_indirect_dma semaphore(%run_scoped3A : memref<!tpu.dma_semaphore, #tpu.memory_space<semaphore_mem>>) src(%dma_wait3A_55 : memref<800000x16xf32, #tpu.memory_space<hbm>>) dst(%arg18 : memref<1000x16xf32, #tpu.memory_space<vmem>>)
        tpu.yield
      }) : () -> ()
      "tpu.region"() ({
        %run_scoped3A = tpu.sem_alloc : memref<!tpu.dma_semaphore, #tpu.memory_space<semaphore_mem>>
        %dma_start3A = arith.constant 0 : i32
        %dma_start3A_52 = arith.constant 0 : i32
        %dma_start3A_53 = tpu.memref_slice %arg5[%dma_start3A, %dma_start3A_52] : memref<800000x16xf32, #tpu.memory_space<hbm>> -> memref<800000x16xf32, #tpu.memory_space<hbm>>
        tpu.enqueue_indirect_dma source(%dma_start3A_53 : memref<800000x16xf32, #tpu.memory_space<hbm>>) target(%arg19 : memref<1000x16xf32, #tpu.memory_space<vmem>>) offsets(%arg15 : memref<1000xi32, #tpu.memory_space<vmem>>) semaphore(%run_scoped3A : memref<!tpu.dma_semaphore, #tpu.memory_space<semaphore_mem>>)
        %dma_wait3A = arith.constant 0 : i32
        %dma_wait3A_54 = arith.constant 0 : i32
        %dma_wait3A_55 = tpu.memref_slice %arg5[%dma_wait3A, %dma_wait3A_54] : memref<800000x16xf32, #tpu.memory_space<hbm>> -> memref<800000x16xf32, #tpu.memory_space<hbm>>
        tpu.wait_indirect_dma semaphore(%run_scoped3A : memref<!tpu.dma_semaphore, #tpu.memory_space<semaphore_mem>>) src(%dma_wait3A_55 : memref<800000x16xf32, #tpu.memory_space<hbm>>) dst(%arg19 : memref<1000x16xf32, #tpu.memory_space<vmem>>)
        tpu.yield
      }) : () -> ()
      %scan3A_44 = arith.constant 0 : i32
      %scan3A_45 = arith.constant 0 : i32
      %scan3A_46 = arith.constant 1000 : i32
      %scan3A_47 = arith.addi %scan3A_45, %scan3A_46 : i32
      %scan3A_48 = arith.constant 1 : i32
      %scan3A_49 = scf.for %scan3A_52 = %scan3A_45 to %scan3A_47 step %scan3A_48 iter_args(%scan3A_53 = %scan3A_44) -> (i32)  : i32 {
        %get3A = arith.index_cast %scan3A_52 : i32 to index
        %get3A_54 = tpu.vector_load %arg17[%get3A] {strides = array<i32>} : memref<1016xf32, #tpu.memory_space<vmem>>, vector<16xf32>,
        %get3A_55 = vector.shape_cast %get3A_54 : vector<16xf32> to vector<16xf32>
        %get3A_56 = arith.index_cast %scan3A_52 : i32 to index
        %get3A_57 = arith.constant 0 : index
        %get3A_58 = tpu.vector_load %arg18[%get3A_56, %get3A_57] {strides = array<i32>} : memref<1000x16xf32, #tpu.memory_space<vmem>>, vector<1x16xf32>,
        %get3A_59 = vector.shape_cast %get3A_58 : vector<1x16xf32> to vector<16xf32>
        %get3A_60 = arith.index_cast %scan3A_52 : i32 to index
        %get3A_61 = arith.constant 0 : index
        %get3A_62 = tpu.vector_load %arg19[%get3A_60, %get3A_61] {strides = array<i32>} : memref<1000x16xf32, #tpu.memory_space<vmem>>, vector<1x16xf32>,
        %get3A_63 = vector.shape_cast %get3A_62 : vector<1x16xf32> to vector<16xf32>
        %mul3A_64 = arith.mulf %get3A_59, %get3A_63 : vector<16xf32>
        %slice3A = vector.extract_strided_slice %get3A_55 {offsets = [0], sizes = [1], strides = [1]} : vector<16xf32> to vector<1xf32>
        %squeeze3A = vector.extract %slice3A[0] : f32 from vector<1xf32>
        %broadcast_in_dim3A_65 = vector.broadcast %squeeze3A : f32 to vector<16xf32>
        %mul3A_66 = arith.mulf %mul3A_64, %broadcast_in_dim3A_65 : vector<16xf32>
        %swap3A = arith.index_cast %scan3A_52 : i32 to index
        %swap3A_67 = arith.constant 0 : index
        %swap3A_68 = tpu.vector_load %arg13[%swap3A, %swap3A_67] {strides = array<i32>} : memref<1000x16xf32, #tpu.memory_space<vmem>>, vector<1x16xf32>,
        %swap3A_69 = vector.shape_cast %swap3A_68 : vector<1x16xf32> to vector<16xf32>
        %swap3A_70 = vector.shape_cast %mul3A_66 : vector<16xf32> to vector<1x16xf32>
        tpu.vector_store %arg13[%swap3A, %swap3A_67], %swap3A_70 {strides = array<i32>} : memref<1000x16xf32, #tpu.memory_space<vmem>>, vector<1x16xf32>,
        %scan3A_71 = arith.constant 0 : i32
        scf.yield %scan3A_71 : i32
      }
      %scan3A_50 = arith.constant 1000 : i32
      "tpu.region"() ({
        %run_scoped3A = tpu.sem_alloc : memref<!tpu.dma_semaphore, #tpu.memory_space<semaphore_mem>>
        %dma_start3A = arith.constant 0 : i32
        %dma_start3A_52 = arith.constant 0 : i32
        %dma_start3A_53 = tpu.memref_slice %arg11[%dma_start3A, %dma_start3A_52] : memref<50048x16xf32, #tpu.memory_space<vmem_shared>> -> memref<50048x16xf32, #tpu.memory_space<vmem_shared>>
        tpu.enqueue_indirect_dma source(%arg13 : memref<1000x16xf32, #tpu.memory_space<vmem>>) target(%dma_start3A_53 : memref<50048x16xf32, #tpu.memory_space<vmem_shared>>) offsets(%arg16 : memref<1000xi32, #tpu.memory_space<vmem>>) semaphore(%run_scoped3A : memref<!tpu.dma_semaphore, #tpu.memory_space<semaphore_mem>>) {add = true}
        %dma_wait3A = arith.constant 0 : i32
        %dma_wait3A_54 = arith.constant 0 : i32
        %dma_wait3A_55 = tpu.memref_slice %arg11[%dma_wait3A, %dma_wait3A_54] : memref<50048x16xf32, #tpu.memory_space<vmem_shared>> -> memref<50048x16xf32, #tpu.memory_space<vmem_shared>>
        tpu.wait_indirect_dma semaphore(%run_scoped3A : memref<!tpu.dma_semaphore, #tpu.memory_space<semaphore_mem>>) src(%arg13 : memref<1000x16xf32, #tpu.memory_space<vmem>>) dst(%dma_wait3A_55 : memref<50048x16xf32, #tpu.memory_space<vmem_shared>>)
        tpu.yield
      }) : () -> ()
      %scan3A_51 = arith.constant 0 : i32
      scf.yield %scan3A_51 : i32
    }
    %scan3A_31 = arith.constant 50 : i32
    %barrier3A_32 = arith.constant 0 : index
    tpu.barrier barrier_id(%barrier3A_32)
    %mul3A_33 = arith.constant 3128 : i32
    %mul3A_34 = arith.muli %arg1, %mul3A_33 : i32
    %mul3A_35 = arith.constant 3128 : i32
    %mul3A_36 = arith.muli %arg1, %mul3A_35 : i32
    "tpu.region"() ({
      %run_scoped3A = tpu.sem_alloc : memref<!tpu.dma_semaphore, #tpu.memory_space<semaphore_mem>>
      %dma_start3A = arith.constant 0 : i32
      %dma_start3A_37 = tpu.memref_slice %arg10[%arg0, %mul3A_36, %dma_start3A] : memref<2x50048x16xf32, #tpu.memory_space<hbm>> -> memref<1x3128x16xf32, #tpu.memory_space<hbm>>
      %dma_start3A_38 = tpu.memref_squeeze %dma_start3A_37 : memref<1x3128x16xf32, #tpu.memory_space<hbm>> -> memref<3128x16xf32, #tpu.memory_space<hbm>>
      %dma_start3A_39 = arith.constant 0 : i32
      %dma_start3A_40 = tpu.memref_slice %arg11[%mul3A_34, %dma_start3A_39] : memref<50048x16xf32, #tpu.memory_space<vmem_shared>> -> memref<3128x16xf32, #tpu.memory_space<vmem_shared>>
      tpu.enqueue_dma source(%dma_start3A_40 : memref<3128x16xf32, #tpu.memory_space<vmem_shared>>) target(%dma_start3A_38 : memref<3128x16xf32, #tpu.memory_space<hbm>>) target_semaphore(%run_scoped3A : memref<!tpu.dma_semaphore, #tpu.memory_space<semaphore_mem>>)
      %dma_wait3A = arith.constant 0 : i32
      %dma_wait3A_41 = tpu.memref_slice %arg10[%arg0, %mul3A_36, %dma_wait3A] : memref<2x50048x16xf32, #tpu.memory_space<hbm>> -> memref<1x3128x16xf32, #tpu.memory_space<hbm>>
      %dma_wait3A_42 = tpu.memref_squeeze %dma_wait3A_41 : memref<1x3128x16xf32, #tpu.memory_space<hbm>> -> memref<3128x16xf32, #tpu.memory_space<hbm>>
      %dma_wait3A_43 = arith.constant 0 : i32
      %dma_wait3A_44 = tpu.memref_slice %arg11[%mul3A_34, %dma_wait3A_43] : memref<50048x16xf32, #tpu.memory_space<vmem_shared>> -> memref<3128x16xf32, #tpu.memory_space<vmem_shared>>
      tpu.wait_dma2 semaphore(%run_scoped3A : memref<!tpu.dma_semaphore, #tpu.memory_space<semaphore_mem>>) src(%dma_wait3A_44 : memref<3128x16xf32, #tpu.memory_space<vmem_shared>>) dst(%dma_wait3A_42 : memref<3128x16xf32, #tpu.memory_space<hbm>>)
      tpu.yield
    }) : () -> ()
    return
  }
}

#map = affine_map<(d0, d1) -> (0, 0)>
#map1 = affine_map<(d0, d1) -> (0)>
module attributes {stable_mosaic.version = 14 : i64} {
  func.func @_gather_body(%arg0: i32, %arg1: i32, %arg2: memref<50000x16xf32, #tpu.memory_space<hbm>>, %arg3: memref<800000xi32, #tpu.memory_space<hbm>>, %arg4: memref<800000xi32, #tpu.memory_space<hbm>>, %arg5: memref<800000x16xf32, #tpu.memory_space<hbm>>, %arg6: memref<800000x16xf32, #tpu.memory_space<hbm>>, %arg7: memref<1000xi32, #tpu.memory_space<vmem>>, %arg8: memref<1000xi32, #tpu.memory_space<vmem>>, %arg9: memref<1000x16xf32, #tpu.memory_space<vmem>>, %arg10: memref<1000x16xf32, #tpu.memory_space<vmem>>) attributes {dimension_semantics = [#tpu.dimension_semantics<core_parallel>, #tpu.dimension_semantics<subcore_parallel>], iteration_bounds = array<i64: 2, 16>, scalar_prefetch = 0 : i64, scratch_operands = 4 : i64, tpu.core_type = #tpu.core_type<sc_vector_subcore>, window_params = [{transform_indices = #map}, {transform_indices = #map1}, {transform_indices = #map1}, {transform_indices = #map}, {transform_indices = #map}]} {
    %mul3A = arith.constant 2 : i32
    %mul3A_0 = arith.muli %arg1, %mul3A : i32
    %add3A = arith.addi %mul3A_0, %arg0 : i32
    %scan3A = arith.constant 0 : i32
    %scan3A_1 = arith.constant 0 : i32
    %scan3A_2 = arith.constant 25 : i32
    %scan3A_3 = arith.addi %scan3A_1, %scan3A_2 : i32
    %scan3A_4 = arith.constant 1 : i32
    %scan3A_5 = scf.for %scan3A_7 = %scan3A_1 to %scan3A_3 step %scan3A_4 iter_args(%scan3A_8 = %scan3A) -> (i32)  : i32 {
      %mul3A_9 = arith.constant 25000 : i32
      %mul3A_10 = arith.muli %add3A, %mul3A_9 : i32
      %mul3A_11 = arith.constant 1000 : i32
      %mul3A_12 = arith.muli %scan3A_7, %mul3A_11 : i32
      %add3A_13 = arith.addi %mul3A_10, %mul3A_12 : i32
      "tpu.region"() ({
        %run_scoped3A = tpu.sem_alloc : memref<!tpu.dma_semaphore, #tpu.memory_space<semaphore_mem>>
        %dma_start3A = tpu.memref_slice %arg3[%add3A_13] : memref<800000xi32, #tpu.memory_space<hbm>> -> memref<1000xi32, #tpu.memory_space<hbm>>
        %dma_start3A_15 = tpu.memref_slice %arg3[%add3A_13] : memref<800000xi32, #tpu.memory_space<hbm>> -> memref<1000xi32, #tpu.memory_space<hbm>>
        tpu.enqueue_dma source(%dma_start3A_15 : memref<1000xi32, #tpu.memory_space<hbm>>) target(%arg7 : memref<1000xi32, #tpu.memory_space<vmem>>) target_semaphore(%run_scoped3A : memref<!tpu.dma_semaphore, #tpu.memory_space<semaphore_mem>>)
        %dma_wait3A = tpu.memref_slice %arg3[%add3A_13] : memref<800000xi32, #tpu.memory_space<hbm>> -> memref<1000xi32, #tpu.memory_space<hbm>>
        %dma_wait3A_16 = tpu.memref_slice %arg3[%add3A_13] : memref<800000xi32, #tpu.memory_space<hbm>> -> memref<1000xi32, #tpu.memory_space<hbm>>
        tpu.wait_dma2 semaphore(%run_scoped3A : memref<!tpu.dma_semaphore, #tpu.memory_space<semaphore_mem>>) src(%dma_wait3A_16 : memref<1000xi32, #tpu.memory_space<hbm>>) dst(%arg7 : memref<1000xi32, #tpu.memory_space<vmem>>)
        tpu.yield
      }) : () -> ()
      "tpu.region"() ({
        %run_scoped3A = tpu.sem_alloc : memref<!tpu.dma_semaphore, #tpu.memory_space<semaphore_mem>>
        %dma_start3A = tpu.memref_slice %arg4[%add3A_13] : memref<800000xi32, #tpu.memory_space<hbm>> -> memref<1000xi32, #tpu.memory_space<hbm>>
        %dma_start3A_15 = tpu.memref_slice %arg4[%add3A_13] : memref<800000xi32, #tpu.memory_space<hbm>> -> memref<1000xi32, #tpu.memory_space<hbm>>
        tpu.enqueue_dma source(%dma_start3A_15 : memref<1000xi32, #tpu.memory_space<hbm>>) target(%arg8 : memref<1000xi32, #tpu.memory_space<vmem>>) target_semaphore(%run_scoped3A : memref<!tpu.dma_semaphore, #tpu.memory_space<semaphore_mem>>)
        %dma_wait3A = tpu.memref_slice %arg4[%add3A_13] : memref<800000xi32, #tpu.memory_space<hbm>> -> memref<1000xi32, #tpu.memory_space<hbm>>
        %dma_wait3A_16 = tpu.memref_slice %arg4[%add3A_13] : memref<800000xi32, #tpu.memory_space<hbm>> -> memref<1000xi32, #tpu.memory_space<hbm>>
        tpu.wait_dma2 semaphore(%run_scoped3A : memref<!tpu.dma_semaphore, #tpu.memory_space<semaphore_mem>>) src(%dma_wait3A_16 : memref<1000xi32, #tpu.memory_space<hbm>>) dst(%arg8 : memref<1000xi32, #tpu.memory_space<vmem>>)
        tpu.yield
      }) : () -> ()
      "tpu.region"() ({
        %run_scoped3A = tpu.sem_alloc : memref<!tpu.dma_semaphore, #tpu.memory_space<semaphore_mem>>
        %dma_start3A = arith.constant 0 : i32
        %dma_start3A_15 = arith.constant 0 : i32
        %dma_start3A_16 = tpu.memref_slice %arg2[%dma_start3A, %dma_start3A_15] : memref<50000x16xf32, #tpu.memory_space<hbm>> -> memref<50000x16xf32, #tpu.memory_space<hbm>>
        tpu.enqueue_indirect_dma source(%dma_start3A_16 : memref<50000x16xf32, #tpu.memory_space<hbm>>) target(%arg9 : memref<1000x16xf32, #tpu.memory_space<vmem>>) offsets(%arg7 : memref<1000xi32, #tpu.memory_space<vmem>>) semaphore(%run_scoped3A : memref<!tpu.dma_semaphore, #tpu.memory_space<semaphore_mem>>)
        %dma_wait3A = arith.constant 0 : i32
        %dma_wait3A_17 = arith.constant 0 : i32
        %dma_wait3A_18 = tpu.memref_slice %arg2[%dma_wait3A, %dma_wait3A_17] : memref<50000x16xf32, #tpu.memory_space<hbm>> -> memref<50000x16xf32, #tpu.memory_space<hbm>>
        tpu.wait_indirect_dma semaphore(%run_scoped3A : memref<!tpu.dma_semaphore, #tpu.memory_space<semaphore_mem>>) src(%dma_wait3A_18 : memref<50000x16xf32, #tpu.memory_space<hbm>>) dst(%arg9 : memref<1000x16xf32, #tpu.memory_space<vmem>>)
        tpu.yield
      }) : () -> ()
      "tpu.region"() ({
        %run_scoped3A = tpu.sem_alloc : memref<!tpu.dma_semaphore, #tpu.memory_space<semaphore_mem>>
        %dma_start3A = arith.constant 0 : i32
        %dma_start3A_15 = arith.constant 0 : i32
        %dma_start3A_16 = tpu.memref_slice %arg2[%dma_start3A, %dma_start3A_15] : memref<50000x16xf32, #tpu.memory_space<hbm>> -> memref<50000x16xf32, #tpu.memory_space<hbm>>
        tpu.enqueue_indirect_dma source(%dma_start3A_16 : memref<50000x16xf32, #tpu.memory_space<hbm>>) target(%arg10 : memref<1000x16xf32, #tpu.memory_space<vmem>>) offsets(%arg8 : memref<1000xi32, #tpu.memory_space<vmem>>) semaphore(%run_scoped3A : memref<!tpu.dma_semaphore, #tpu.memory_space<semaphore_mem>>)
        %dma_wait3A = arith.constant 0 : i32
        %dma_wait3A_17 = arith.constant 0 : i32
        %dma_wait3A_18 = tpu.memref_slice %arg2[%dma_wait3A, %dma_wait3A_17] : memref<50000x16xf32, #tpu.memory_space<hbm>> -> memref<50000x16xf32, #tpu.memory_space<hbm>>
        tpu.wait_indirect_dma semaphore(%run_scoped3A : memref<!tpu.dma_semaphore, #tpu.memory_space<semaphore_mem>>) src(%dma_wait3A_18 : memref<50000x16xf32, #tpu.memory_space<hbm>>) dst(%arg10 : memref<1000x16xf32, #tpu.memory_space<vmem>>)
        tpu.yield
      }) : () -> ()
      "tpu.region"() ({
        %run_scoped3A = tpu.sem_alloc : memref<!tpu.dma_semaphore, #tpu.memory_space<semaphore_mem>>
        %dma_start3A = arith.constant 0 : i32
        %dma_start3A_15 = tpu.memref_slice %arg5[%add3A_13, %dma_start3A] : memref<800000x16xf32, #tpu.memory_space<hbm>> -> memref<1000x16xf32, #tpu.memory_space<hbm>>
        %dma_start3A_16 = arith.constant 0 : i32
        %dma_start3A_17 = tpu.memref_slice %arg5[%add3A_13, %dma_start3A_16] : memref<800000x16xf32, #tpu.memory_space<hbm>> -> memref<1000x16xf32, #tpu.memory_space<hbm>>
        tpu.enqueue_dma source(%arg9 : memref<1000x16xf32, #tpu.memory_space<vmem>>) target(%dma_start3A_17 : memref<1000x16xf32, #tpu.memory_space<hbm>>) target_semaphore(%run_scoped3A : memref<!tpu.dma_semaphore, #tpu.memory_space<semaphore_mem>>)
        %dma_wait3A = arith.constant 0 : i32
        %dma_wait3A_18 = tpu.memref_slice %arg5[%add3A_13, %dma_wait3A] : memref<800000x16xf32, #tpu.memory_space<hbm>> -> memref<1000x16xf32, #tpu.memory_space<hbm>>
        %dma_wait3A_19 = arith.constant 0 : i32
        %dma_wait3A_20 = tpu.memref_slice %arg5[%add3A_13, %dma_wait3A_19] : memref<800000x16xf32, #tpu.memory_space<hbm>> -> memref<1000x16xf32, #tpu.memory_space<hbm>>
        tpu.wait_dma2 semaphore(%run_scoped3A : memref<!tpu.dma_semaphore, #tpu.memory_space<semaphore_mem>>) src(%arg9 : memref<1000x16xf32, #tpu.memory_space<vmem>>) dst(%dma_wait3A_20 : memref<1000x16xf32, #tpu.memory_space<hbm>>)
        tpu.yield
      }) : () -> ()
      "tpu.region"() ({
        %run_scoped3A = tpu.sem_alloc : memref<!tpu.dma_semaphore, #tpu.memory_space<semaphore_mem>>
        %dma_start3A = arith.constant 0 : i32
        %dma_start3A_15 = tpu.memref_slice %arg6[%add3A_13, %dma_start3A] : memref<800000x16xf32, #tpu.memory_space<hbm>> -> memref<1000x16xf32, #tpu.memory_space<hbm>>
        %dma_start3A_16 = arith.constant 0 : i32
        %dma_start3A_17 = tpu.memref_slice %arg6[%add3A_13, %dma_start3A_16] : memref<800000x16xf32, #tpu.memory_space<hbm>> -> memref<1000x16xf32, #tpu.memory_space<hbm>>
        tpu.enqueue_dma source(%arg10 : memref<1000x16xf32, #tpu.memory_space<vmem>>) target(%dma_start3A_17 : memref<1000x16xf32, #tpu.memory_space<hbm>>) target_semaphore(%run_scoped3A : memref<!tpu.dma_semaphore, #tpu.memory_space<semaphore_mem>>)
        %dma_wait3A = arith.constant 0 : i32
        %dma_wait3A_18 = tpu.memref_slice %arg6[%add3A_13, %dma_wait3A] : memref<800000x16xf32, #tpu.memory_space<hbm>> -> memref<1000x16xf32, #tpu.memory_space<hbm>>
        %dma_wait3A_19 = arith.constant 0 : i32
        %dma_wait3A_20 = tpu.memref_slice %arg6[%add3A_13, %dma_wait3A_19] : memref<800000x16xf32, #tpu.memory_space<hbm>> -> memref<1000x16xf32, #tpu.memory_space<hbm>>
        tpu.wait_dma2 semaphore(%run_scoped3A : memref<!tpu.dma_semaphore, #tpu.memory_space<semaphore_mem>>) src(%arg10 : memref<1000x16xf32, #tpu.memory_space<vmem>>) dst(%dma_wait3A_20 : memref<1000x16xf32, #tpu.memory_space<hbm>>)
        tpu.yield
      }) : () -> ()
      %scan3A_14 = arith.constant 0 : i32
      scf.yield %scan3A_14 : i32
    }
    %scan3A_6 = arith.constant 25 : i32
    return
  }
}

module attributes {stable_mosaic.version = 14 : i64} {
  func.func @_mlp_t_body(%arg0: i32, %arg1: memref<16x5120xf32, #tpu.memory_space<vmem>>, %arg2: memref<16x16xf32, #tpu.memory_space<vmem>>, %arg3: memref<16x1xf32, #tpu.memory_space<vmem>>, %arg4: memref<16x16xf32, #tpu.memory_space<vmem>>, %arg5: memref<16x1xf32, #tpu.memory_space<vmem>>, %arg6: memref<16x16xf32, #tpu.memory_space<vmem>>, %arg7: memref<16x1xf32, #tpu.memory_space<vmem>>, %arg8: memref<1x16xf32, #tpu.memory_space<vmem>>, %arg9: memref<1x1xf32, #tpu.memory_space<vmem>>, %arg10: memref<5120xf32, #tpu.memory_space<vmem>>) attributes {dimension_semantics = [#tpu.dimension_semantics<arbitrary>], iteration_bounds = array<i64: 157>, scalar_prefetch = 0 : i64, scratch_operands = 0 : i64, tpu.core_type = #tpu.core_type<tc>, window_params = [{transform_indices = @transform_0, window_bounds = array<i64: 16, 5120>}, {pipeline_mode = #tpu.pipeline_mode<synchronous>, transform_indices = @transform_1, window_bounds = array<i64: 16, 16>}, {pipeline_mode = #tpu.pipeline_mode<synchronous>, transform_indices = @transform_2, window_bounds = array<i64: 16, 1>}, {pipeline_mode = #tpu.pipeline_mode<synchronous>, transform_indices = @transform_3, window_bounds = array<i64: 16, 16>}, {pipeline_mode = #tpu.pipeline_mode<synchronous>, transform_indices = @transform_4, window_bounds = array<i64: 16, 1>}, {pipeline_mode = #tpu.pipeline_mode<synchronous>, transform_indices = @transform_5, window_bounds = array<i64: 16, 16>}, {pipeline_mode = #tpu.pipeline_mode<synchronous>, transform_indices = @transform_6, window_bounds = array<i64: 16, 1>}, {pipeline_mode = #tpu.pipeline_mode<synchronous>, transform_indices = @transform_7, window_bounds = array<i64: 1, 16>}, {pipeline_mode = #tpu.pipeline_mode<synchronous>, transform_indices = @transform_8, window_bounds = array<i64: 1, 1>}, {transform_indices = @transform_9, window_bounds = array<i64: 5120>}]} {
    %get3A = arith.constant 0 : index
    %get3A_0 = arith.constant 0 : index
    %get3A_1 = vector.load %arg1[%get3A, %get3A_0] : memref<16x5120xf32, #tpu.memory_space<vmem>>, vector<16x5120xf32>
    %get3A_2 = arith.constant 0 : index
    %get3A_3 = arith.constant 0 : index
    %get3A_4 = vector.load %arg2[%get3A_2, %get3A_3] : memref<16x16xf32, #tpu.memory_space<vmem>>, vector<16x16xf32>
    %dot_general3A = arith.constant dense<0.000000e+00> : vector<16x5120xf32>
    %dot_general3A_5 = tpu.matmul %get3A_4, %get3A_1, %dot_general3A {dimension_numbers = #tpu.dot_dimension_numbers<[1], [0], [0], [1], [0, 0, 1, 1], [], []>, transpose_lhs_hint = false} : vector<16x16xf32>, vector<16x5120xf32>, vector<16x5120xf32> -> vector<16x5120xf32>
    %get3A_6 = arith.constant 0 : index
    %get3A_7 = arith.constant 0 : index
    %get3A_8 = vector.load %arg3[%get3A_6, %get3A_7] : memref<16x1xf32, #tpu.memory_space<vmem>>, vector<16x1xf32>
    %add3A = vector.broadcast %get3A_8 : vector<16x1xf32> to vector<16x5120xf32>
    %add3A_9 = arith.addf %dot_general3A_5, %add3A : vector<16x5120xf32>
    %max3A = arith.constant 0.000000e+00 : f32
    %max3A_10 = vector.broadcast %max3A : f32 to vector<16x5120xf32>
    %max3A_11 = arith.maximumf %add3A_9, %max3A_10 : vector<16x5120xf32>
    %abs3A = math.absf %add3A_9 : vector<16x5120xf32>
    %neg3A = arith.constant 0.000000e+00 : f32
    %neg3A_12 = vector.broadcast %neg3A : f32 to vector<16x5120xf32>
    %neg3A_13 = arith.subf %neg3A_12, %abs3A : vector<16x5120xf32>
    %exp3A = math.exp %neg3A_13 : vector<16x5120xf32>
    %log1p3A = math.log1p %exp3A : vector<16x5120xf32>
    %add3A_14 = arith.addf %max3A_11, %log1p3A : vector<16x5120xf32>
    %get3A_15 = arith.constant 0 : index
    %get3A_16 = arith.constant 0 : index
    %get3A_17 = vector.load %arg4[%get3A_15, %get3A_16] : memref<16x16xf32, #tpu.memory_space<vmem>>, vector<16x16xf32>
    %dot_general3A_18 = arith.constant dense<0.000000e+00> : vector<16x5120xf32>
    %dot_general3A_19 = tpu.matmul %get3A_17, %add3A_14, %dot_general3A_18 {dimension_numbers = #tpu.dot_dimension_numbers<[1], [0], [0], [1], [0, 0, 1, 1], [], []>, transpose_lhs_hint = false} : vector<16x16xf32>, vector<16x5120xf32>, vector<16x5120xf32> -> vector<16x5120xf32>
    %get3A_20 = arith.constant 0 : index
    %get3A_21 = arith.constant 0 : index
    %get3A_22 = vector.load %arg5[%get3A_20, %get3A_21] : memref<16x1xf32, #tpu.memory_space<vmem>>, vector<16x1xf32>
    %add3A_23 = vector.broadcast %get3A_22 : vector<16x1xf32> to vector<16x5120xf32>
    %add3A_24 = arith.addf %dot_general3A_19, %add3A_23 : vector<16x5120xf32>
    %max3A_25 = arith.constant 0.000000e+00 : f32
    %max3A_26 = vector.broadcast %max3A_25 : f32 to vector<16x5120xf32>
    %max3A_27 = arith.maximumf %add3A_24, %max3A_26 : vector<16x5120xf32>
    %abs3A_28 = math.absf %add3A_24 : vector<16x5120xf32>
    %neg3A_29 = arith.constant 0.000000e+00 : f32
    %neg3A_30 = vector.broadcast %neg3A_29 : f32 to vector<16x5120xf32>
    %neg3A_31 = arith.subf %neg3A_30, %abs3A_28 : vector<16x5120xf32>
    %exp3A_32 = math.exp %neg3A_31 : vector<16x5120xf32>
    %log1p3A_33 = math.log1p %exp3A_32 : vector<16x5120xf32>
    %add3A_34 = arith.addf %max3A_27, %log1p3A_33 : vector<16x5120xf32>
    %get3A_35 = arith.constant 0 : index
    %get3A_36 = arith.constant 0 : index
    %get3A_37 = vector.load %arg6[%get3A_35, %get3A_36] : memref<16x16xf32, #tpu.memory_space<vmem>>, vector<16x16xf32>
    %dot_general3A_38 = arith.constant dense<0.000000e+00> : vector<16x5120xf32>
    %dot_general3A_39 = tpu.matmul %get3A_37, %add3A_34, %dot_general3A_38 {dimension_numbers = #tpu.dot_dimension_numbers<[1], [0], [0], [1], [0, 0, 1, 1], [], []>, transpose_lhs_hint = false} : vector<16x16xf32>, vector<16x5120xf32>, vector<16x5120xf32> -> vector<16x5120xf32>
    %get3A_40 = arith.constant 0 : index
    %get3A_41 = arith.constant 0 : index
    %get3A_42 = vector.load %arg7[%get3A_40, %get3A_41] : memref<16x1xf32, #tpu.memory_space<vmem>>, vector<16x1xf32>
    %add3A_43 = vector.broadcast %get3A_42 : vector<16x1xf32> to vector<16x5120xf32>
    %add3A_44 = arith.addf %dot_general3A_39, %add3A_43 : vector<16x5120xf32>
    %max3A_45 = arith.constant 0.000000e+00 : f32
    %max3A_46 = vector.broadcast %max3A_45 : f32 to vector<16x5120xf32>
    %max3A_47 = arith.maximumf %add3A_44, %max3A_46 : vector<16x5120xf32>
    %abs3A_48 = math.absf %add3A_44 : vector<16x5120xf32>
    %neg3A_49 = arith.constant 0.000000e+00 : f32
    %neg3A_50 = vector.broadcast %neg3A_49 : f32 to vector<16x5120xf32>
    %neg3A_51 = arith.subf %neg3A_50, %abs3A_48 : vector<16x5120xf32>
    %exp3A_52 = math.exp %neg3A_51 : vector<16x5120xf32>
    %log1p3A_53 = math.log1p %exp3A_52 : vector<16x5120xf32>
    %add3A_54 = arith.addf %max3A_47, %log1p3A_53 : vector<16x5120xf32>
    %get3A_55 = arith.constant 0 : index
    %get3A_56 = arith.constant 0 : index
    %get3A_57 = vector.load %arg8[%get3A_55, %get3A_56] : memref<1x16xf32, #tpu.memory_space<vmem>>, vector<1x16xf32>
    %dot_general3A_58 = arith.constant dense<0.000000e+00> : vector<1x5120xf32>
    %dot_general3A_59 = tpu.matmul %get3A_57, %add3A_54, %dot_general3A_58 {dimension_numbers = #tpu.dot_dimension_numbers<[1], [0], [0], [1], [0, 0, 1, 1], [], []>, transpose_lhs_hint = false} : vector<1x16xf32>, vector<16x5120xf32>, vector<1x5120xf32> -> vector<1x5120xf32>
    %get3A_60 = arith.constant 0 : index
    %get3A_61 = arith.constant 0 : index
    %get3A_62 = vector.load %arg9[%get3A_60, %get3A_61] : memref<1x1xf32, #tpu.memory_space<vmem>>, vector<1x1xf32>
    %add3A_63 = vector.broadcast %get3A_62 : vector<1x1xf32> to vector<1x5120xf32>
    %add3A_64 = arith.addf %dot_general3A_59, %add3A_63 : vector<1x5120xf32>
    %reshape3A = vector.shape_cast %add3A_64 : vector<1x5120xf32> to vector<5120xf32>
    %swap3A = arith.constant 0 : index
    %swap3A_65 = vector.load %arg10[%swap3A] : memref<5120xf32, #tpu.memory_space<vmem>>, vector<5120xf32>
    tpu.vector_store %arg10[%swap3A], %reshape3A {strides = array<i32>} : memref<5120xf32, #tpu.memory_space<vmem>>, vector<5120xf32>,
    return
  }
  func.func @transform_0(%arg0: i32) -> (i32, i32) {
    %c0_i32 = arith.constant 0 : i32
    %c0_i32_0 = arith.constant 0 : i32
    return %c0_i32, %arg0 : i32, i32
  }
  func.func @transform_1(%arg0: i32) -> (i32, i32) {
    %c0_i32 = arith.constant 0 : i32
    %c0_i32_0 = arith.constant 0 : i32
    %c0_i32_1 = arith.constant 0 : i32
    return %c0_i32, %c0_i32_0 : i32, i32
  }
  func.func @transform_2(%arg0: i32) -> (i32, i32) {
    %c0_i32 = arith.constant 0 : i32
    %c0_i32_0 = arith.constant 0 : i32
    %c0_i32_1 = arith.constant 0 : i32
    return %c0_i32, %c0_i32_0 : i32, i32
  }
  func.func @transform_3(%arg0: i32) -> (i32, i32) {
    %c0_i32 = arith.constant 0 : i32
    %c0_i32_0 = arith.constant 0 : i32
    %c0_i32_1 = arith.constant 0 : i32
    return %c0_i32, %c0_i32_0 : i32, i32
  }
  func.func @transform_4(%arg0: i32) -> (i32, i32) {
    %c0_i32 = arith.constant 0 : i32
    %c0_i32_0 = arith.constant 0 : i32
    %c0_i32_1 = arith.constant 0 : i32
    return %c0_i32, %c0_i32_0 : i32, i32
  }
  func.func @transform_5(%arg0: i32) -> (i32, i32) {
    %c0_i32 = arith.constant 0 : i32
    %c0_i32_0 = arith.constant 0 : i32
    %c0_i32_1 = arith.constant 0 : i32
    return %c0_i32, %c0_i32_0 : i32, i32
  }
  func.func @transform_6(%arg0: i32) -> (i32, i32) {
    %c0_i32 = arith.constant 0 : i32
    %c0_i32_0 = arith.constant 0 : i32
    %c0_i32_1 = arith.constant 0 : i32
    return %c0_i32, %c0_i32_0 : i32, i32
  }
  func.func @transform_7(%arg0: i32) -> (i32, i32) {
    %c0_i32 = arith.constant 0 : i32
    %c0_i32_0 = arith.constant 0 : i32
    %c0_i32_1 = arith.constant 0 : i32
    return %c0_i32, %c0_i32_0 : i32, i32
  }
  func.func @transform_8(%arg0: i32) -> (i32, i32) {
    %c0_i32 = arith.constant 0 : i32
    %c0_i32_0 = arith.constant 0 : i32
    %c0_i32_1 = arith.constant 0 : i32
    return %c0_i32, %c0_i32_0 : i32, i32
  }
  func.func @transform_9(%arg0: i32) -> i32 {
    %c0_i32 = arith.constant 0 : i32
    return %arg0 : i32
  }
}

module attributes {stable_mosaic.version = 14 : i64} {
  func.func @_mlp_t_body(%arg0: i32, %arg1: memref<16x5120xf32, #tpu.memory_space<vmem>>, %arg2: memref<16x16xf32, #tpu.memory_space<vmem>>, %arg3: memref<16x1xf32, #tpu.memory_space<vmem>>, %arg4: memref<16x16xf32, #tpu.memory_space<vmem>>, %arg5: memref<16x1xf32, #tpu.memory_space<vmem>>, %arg6: memref<16x16xf32, #tpu.memory_space<vmem>>, %arg7: memref<16x1xf32, #tpu.memory_space<vmem>>, %arg8: memref<1x16xf32, #tpu.memory_space<vmem>>, %arg9: memref<1x1xf32, #tpu.memory_space<vmem>>, %arg10: memref<5120xf32, #tpu.memory_space<vmem>>) attributes {dimension_semantics = [#tpu.dimension_semantics<arbitrary>], iteration_bounds = array<i64: 313>, scalar_prefetch = 0 : i64, scratch_operands = 0 : i64, tpu.core_type = #tpu.core_type<tc>, window_params = [{transform_indices = @transform_0, window_bounds = array<i64: 16, 5120>}, {pipeline_mode = #tpu.pipeline_mode<synchronous>, transform_indices = @transform_1, window_bounds = array<i64: 16, 16>}, {pipeline_mode = #tpu.pipeline_mode<synchronous>, transform_indices = @transform_2, window_bounds = array<i64: 16, 1>}, {pipeline_mode = #tpu.pipeline_mode<synchronous>, transform_indices = @transform_3, window_bounds = array<i64: 16, 16>}, {pipeline_mode = #tpu.pipeline_mode<synchronous>, transform_indices = @transform_4, window_bounds = array<i64: 16, 1>}, {pipeline_mode = #tpu.pipeline_mode<synchronous>, transform_indices = @transform_5, window_bounds = array<i64: 16, 16>}, {pipeline_mode = #tpu.pipeline_mode<synchronous>, transform_indices = @transform_6, window_bounds = array<i64: 16, 1>}, {pipeline_mode = #tpu.pipeline_mode<synchronous>, transform_indices = @transform_7, window_bounds = array<i64: 1, 16>}, {pipeline_mode = #tpu.pipeline_mode<synchronous>, transform_indices = @transform_8, window_bounds = array<i64: 1, 1>}, {transform_indices = @transform_9, window_bounds = array<i64: 5120>}]} {
    %get3A = arith.constant 0 : index
    %get3A_0 = arith.constant 0 : index
    %get3A_1 = vector.load %arg1[%get3A, %get3A_0] : memref<16x5120xf32, #tpu.memory_space<vmem>>, vector<16x5120xf32>
    %get3A_2 = arith.constant 0 : index
    %get3A_3 = arith.constant 0 : index
    %get3A_4 = vector.load %arg2[%get3A_2, %get3A_3] : memref<16x16xf32, #tpu.memory_space<vmem>>, vector<16x16xf32>
    %dot_general3A = arith.constant dense<0.000000e+00> : vector<16x5120xf32>
    %dot_general3A_5 = tpu.matmul %get3A_4, %get3A_1, %dot_general3A {dimension_numbers = #tpu.dot_dimension_numbers<[1], [0], [0], [1], [0, 0, 1, 1], [], []>, transpose_lhs_hint = false} : vector<16x16xf32>, vector<16x5120xf32>, vector<16x5120xf32> -> vector<16x5120xf32>
    %get3A_6 = arith.constant 0 : index
    %get3A_7 = arith.constant 0 : index
    %get3A_8 = vector.load %arg3[%get3A_6, %get3A_7] : memref<16x1xf32, #tpu.memory_space<vmem>>, vector<16x1xf32>
    %add3A = vector.broadcast %get3A_8 : vector<16x1xf32> to vector<16x5120xf32>
    %add3A_9 = arith.addf %dot_general3A_5, %add3A : vector<16x5120xf32>
    %max3A = arith.constant 0.000000e+00 : f32
    %max3A_10 = vector.broadcast %max3A : f32 to vector<16x5120xf32>
    %max3A_11 = arith.maximumf %add3A_9, %max3A_10 : vector<16x5120xf32>
    %abs3A = math.absf %add3A_9 : vector<16x5120xf32>
    %neg3A = arith.constant 0.000000e+00 : f32
    %neg3A_12 = vector.broadcast %neg3A : f32 to vector<16x5120xf32>
    %neg3A_13 = arith.subf %neg3A_12, %abs3A : vector<16x5120xf32>
    %exp3A = math.exp %neg3A_13 : vector<16x5120xf32>
    %log1p3A = math.log1p %exp3A : vector<16x5120xf32>
    %add3A_14 = arith.addf %max3A_11, %log1p3A : vector<16x5120xf32>
    %get3A_15 = arith.constant 0 : index
    %get3A_16 = arith.constant 0 : index
    %get3A_17 = vector.load %arg4[%get3A_15, %get3A_16] : memref<16x16xf32, #tpu.memory_space<vmem>>, vector<16x16xf32>
    %dot_general3A_18 = arith.constant dense<0.000000e+00> : vector<16x5120xf32>
    %dot_general3A_19 = tpu.matmul %get3A_17, %add3A_14, %dot_general3A_18 {dimension_numbers = #tpu.dot_dimension_numbers<[1], [0], [0], [1], [0, 0, 1, 1], [], []>, transpose_lhs_hint = false} : vector<16x16xf32>, vector<16x5120xf32>, vector<16x5120xf32> -> vector<16x5120xf32>
    %get3A_20 = arith.constant 0 : index
    %get3A_21 = arith.constant 0 : index
    %get3A_22 = vector.load %arg5[%get3A_20, %get3A_21] : memref<16x1xf32, #tpu.memory_space<vmem>>, vector<16x1xf32>
    %add3A_23 = vector.broadcast %get3A_22 : vector<16x1xf32> to vector<16x5120xf32>
    %add3A_24 = arith.addf %dot_general3A_19, %add3A_23 : vector<16x5120xf32>
    %max3A_25 = arith.constant 0.000000e+00 : f32
    %max3A_26 = vector.broadcast %max3A_25 : f32 to vector<16x5120xf32>
    %max3A_27 = arith.maximumf %add3A_24, %max3A_26 : vector<16x5120xf32>
    %abs3A_28 = math.absf %add3A_24 : vector<16x5120xf32>
    %neg3A_29 = arith.constant 0.000000e+00 : f32
    %neg3A_30 = vector.broadcast %neg3A_29 : f32 to vector<16x5120xf32>
    %neg3A_31 = arith.subf %neg3A_30, %abs3A_28 : vector<16x5120xf32>
    %exp3A_32 = math.exp %neg3A_31 : vector<16x5120xf32>
    %log1p3A_33 = math.log1p %exp3A_32 : vector<16x5120xf32>
    %add3A_34 = arith.addf %max3A_27, %log1p3A_33 : vector<16x5120xf32>
    %get3A_35 = arith.constant 0 : index
    %get3A_36 = arith.constant 0 : index
    %get3A_37 = vector.load %arg6[%get3A_35, %get3A_36] : memref<16x16xf32, #tpu.memory_space<vmem>>, vector<16x16xf32>
    %dot_general3A_38 = arith.constant dense<0.000000e+00> : vector<16x5120xf32>
    %dot_general3A_39 = tpu.matmul %get3A_37, %add3A_34, %dot_general3A_38 {dimension_numbers = #tpu.dot_dimension_numbers<[1], [0], [0], [1], [0, 0, 1, 1], [], []>, transpose_lhs_hint = false} : vector<16x16xf32>, vector<16x5120xf32>, vector<16x5120xf32> -> vector<16x5120xf32>
    %get3A_40 = arith.constant 0 : index
    %get3A_41 = arith.constant 0 : index
    %get3A_42 = vector.load %arg7[%get3A_40, %get3A_41] : memref<16x1xf32, #tpu.memory_space<vmem>>, vector<16x1xf32>
    %add3A_43 = vector.broadcast %get3A_42 : vector<16x1xf32> to vector<16x5120xf32>
    %add3A_44 = arith.addf %dot_general3A_39, %add3A_43 : vector<16x5120xf32>
    %max3A_45 = arith.constant 0.000000e+00 : f32
    %max3A_46 = vector.broadcast %max3A_45 : f32 to vector<16x5120xf32>
    %max3A_47 = arith.maximumf %add3A_44, %max3A_46 : vector<16x5120xf32>
    %abs3A_48 = math.absf %add3A_44 : vector<16x5120xf32>
    %neg3A_49 = arith.constant 0.000000e+00 : f32
    %neg3A_50 = vector.broadcast %neg3A_49 : f32 to vector<16x5120xf32>
    %neg3A_51 = arith.subf %neg3A_50, %abs3A_48 : vector<16x5120xf32>
    %exp3A_52 = math.exp %neg3A_51 : vector<16x5120xf32>
    %log1p3A_53 = math.log1p %exp3A_52 : vector<16x5120xf32>
    %add3A_54 = arith.addf %max3A_47, %log1p3A_53 : vector<16x5120xf32>
    %get3A_55 = arith.constant 0 : index
    %get3A_56 = arith.constant 0 : index
    %get3A_57 = vector.load %arg8[%get3A_55, %get3A_56] : memref<1x16xf32, #tpu.memory_space<vmem>>, vector<1x16xf32>
    %dot_general3A_58 = arith.constant dense<0.000000e+00> : vector<1x5120xf32>
    %dot_general3A_59 = tpu.matmul %get3A_57, %add3A_54, %dot_general3A_58 {dimension_numbers = #tpu.dot_dimension_numbers<[1], [0], [0], [1], [0, 0, 1, 1], [], []>, transpose_lhs_hint = false} : vector<1x16xf32>, vector<16x5120xf32>, vector<1x5120xf32> -> vector<1x5120xf32>
    %get3A_60 = arith.constant 0 : index
    %get3A_61 = arith.constant 0 : index
    %get3A_62 = vector.load %arg9[%get3A_60, %get3A_61] : memref<1x1xf32, #tpu.memory_space<vmem>>, vector<1x1xf32>
    %add3A_63 = vector.broadcast %get3A_62 : vector<1x1xf32> to vector<1x5120xf32>
    %add3A_64 = arith.addf %dot_general3A_59, %add3A_63 : vector<1x5120xf32>
    %reshape3A = vector.shape_cast %add3A_64 : vector<1x5120xf32> to vector<5120xf32>
    %swap3A = arith.constant 0 : index
    %swap3A_65 = vector.load %arg10[%swap3A] : memref<5120xf32, #tpu.memory_space<vmem>>, vector<5120xf32>
    tpu.vector_store %arg10[%swap3A], %reshape3A {strides = array<i32>} : memref<5120xf32, #tpu.memory_space<vmem>>, vector<5120xf32>,
    return
  }
  func.func @transform_0(%arg0: i32) -> (i32, i32) {
    %c0_i32 = arith.constant 0 : i32
    %c0_i32_0 = arith.constant 0 : i32
    return %c0_i32, %arg0 : i32, i32
  }
  func.func @transform_1(%arg0: i32) -> (i32, i32) {
    %c0_i32 = arith.constant 0 : i32
    %c0_i32_0 = arith.constant 0 : i32
    %c0_i32_1 = arith.constant 0 : i32
    return %c0_i32, %c0_i32_0 : i32, i32
  }
  func.func @transform_2(%arg0: i32) -> (i32, i32) {
    %c0_i32 = arith.constant 0 : i32
    %c0_i32_0 = arith.constant 0 : i32
    %c0_i32_1 = arith.constant 0 : i32
    return %c0_i32, %c0_i32_0 : i32, i32
  }
  func.func @transform_3(%arg0: i32) -> (i32, i32) {
    %c0_i32 = arith.constant 0 : i32
    %c0_i32_0 = arith.constant 0 : i32
    %c0_i32_1 = arith.constant 0 : i32
    return %c0_i32, %c0_i32_0 : i32, i32
  }
  func.func @transform_4(%arg0: i32) -> (i32, i32) {
    %c0_i32 = arith.constant 0 : i32
    %c0_i32_0 = arith.constant 0 : i32
    %c0_i32_1 = arith.constant 0 : i32
    return %c0_i32, %c0_i32_0 : i32, i32
  }
  func.func @transform_5(%arg0: i32) -> (i32, i32) {
    %c0_i32 = arith.constant 0 : i32
    %c0_i32_0 = arith.constant 0 : i32
    %c0_i32_1 = arith.constant 0 : i32
    return %c0_i32, %c0_i32_0 : i32, i32
  }
  func.func @transform_6(%arg0: i32) -> (i32, i32) {
    %c0_i32 = arith.constant 0 : i32
    %c0_i32_0 = arith.constant 0 : i32
    %c0_i32_1 = arith.constant 0 : i32
    return %c0_i32, %c0_i32_0 : i32, i32
  }
  func.func @transform_7(%arg0: i32) -> (i32, i32) {
    %c0_i32 = arith.constant 0 : i32
    %c0_i32_0 = arith.constant 0 : i32
    %c0_i32_1 = arith.constant 0 : i32
    return %c0_i32, %c0_i32_0 : i32, i32
  }
  func.func @transform_8(%arg0: i32) -> (i32, i32) {
    %c0_i32 = arith.constant 0 : i32
    %c0_i32_0 = arith.constant 0 : i32
    %c0_i32_1 = arith.constant 0 : i32
    return %c0_i32, %c0_i32_0 : i32, i32
  }
  func.func @transform_9(%arg0: i32) -> i32 {
    %c0_i32 = arith.constant 0 : i32
    return %arg0 : i32
  }
}

module attributes {stable_mosaic.version = 14 : i64} {
  func.func @_geo_body(%arg0: i32, %arg1: memref<2000x128xf32, #tpu.memory_space<vmem>>, %arg2: memref<2000x128xf32, #tpu.memory_space<vmem>>, %arg3: memref<2000x128xf32, #tpu.memory_space<vmem>>, %arg4: memref<2000x128xf32, #tpu.memory_space<vmem>>, %arg5: memref<128x128xf32, #tpu.memory_space<vmem>>, %arg6: memref<128x128xf32, #tpu.memory_space<vmem>>, %arg7: memref<128x128xf32, #tpu.memory_space<vmem>>, %arg8: memref<2000x128xf32, #tpu.memory_space<vmem>>, %arg9: memref<2000x128xf32, #tpu.memory_space<vmem>>, %arg10: memref<2000x128xf32, #tpu.memory_space<vmem>>) attributes {dimension_semantics = [#tpu.dimension_semantics<arbitrary>], iteration_bounds = array<i64: 50>, scalar_prefetch = 0 : i64, scratch_operands = 0 : i64, tpu.core_type = #tpu.core_type<tc>, window_params = [{transform_indices = @transform_0, window_bounds = array<i64: 2000, 128>}, {transform_indices = @transform_1, window_bounds = array<i64: 2000, 128>}, {transform_indices = @transform_2, window_bounds = array<i64: 2000, 128>}, {transform_indices = @transform_3, window_bounds = array<i64: 2000, 128>}, {pipeline_mode = #tpu.pipeline_mode<synchronous>, transform_indices = @transform_4, window_bounds = array<i64: 128, 128>}, {pipeline_mode = #tpu.pipeline_mode<synchronous>, transform_indices = @transform_5, window_bounds = array<i64: 128, 128>}, {pipeline_mode = #tpu.pipeline_mode<synchronous>, transform_indices = @transform_6, window_bounds = array<i64: 128, 128>}, {transform_indices = @transform_7, window_bounds = array<i64: 2000, 128>}, {transform_indices = @transform_8, window_bounds = array<i64: 2000, 128>}, {transform_indices = @transform_9, window_bounds = array<i64: 2000, 128>}]} {
    %get3A = arith.constant 0 : index
    %get3A_0 = arith.constant 0 : index
    %get3A_1 = vector.load %arg1[%get3A, %get3A_0] : memref<2000x128xf32, #tpu.memory_space<vmem>>, vector<2000x128xf32>
    %get3A_2 = arith.constant 0 : index
    %get3A_3 = arith.constant 0 : index
    %get3A_4 = vector.load %arg2[%get3A_2, %get3A_3] : memref<2000x128xf32, #tpu.memory_space<vmem>>, vector<2000x128xf32>
    %sub3A = arith.subf %get3A_1, %get3A_4 : vector<2000x128xf32>
    %get3A_5 = arith.constant 0 : index
    %get3A_6 = arith.constant 0 : index
    %get3A_7 = vector.load %arg3[%get3A_5, %get3A_6] : memref<2000x128xf32, #tpu.memory_space<vmem>>, vector<2000x128xf32>
    %add3A = arith.addf %sub3A, %get3A_7 : vector<2000x128xf32>
    %mul3A = arith.mulf %add3A, %add3A : vector<2000x128xf32>
    %get3A_8 = arith.constant 0 : index
    %get3A_9 = arith.constant 0 : index
    %get3A_10 = vector.load %arg7[%get3A_8, %get3A_9] : memref<128x128xf32, #tpu.memory_space<vmem>>, vector<128x128xf32>
    %dot_general3A = arith.constant dense<0.000000e+00> : vector<2000x128xf32>
    %dot_general3A_11 = tpu.matmul %mul3A, %get3A_10, %dot_general3A {dimension_numbers = #tpu.dot_dimension_numbers<[1], [0], [0], [1], [0, 0, 1, 1], [], []>, precision = #tpu.contract_precision<fp32>, transpose_lhs_hint = false} : vector<2000x128xf32>, vector<128x128xf32>, vector<2000x128xf32> -> vector<2000x128xf32>
    %rsqrt3A = math.rsqrt %dot_general3A_11 : vector<2000x128xf32>
    %get3A_12 = arith.constant 0 : index
    %get3A_13 = arith.constant 0 : index
    %get3A_14 = vector.load %arg5[%get3A_12, %get3A_13] : memref<128x128xf32, #tpu.memory_space<vmem>>, vector<128x128xf32>
    %dot_general3A_15 = arith.constant dense<0.000000e+00> : vector<2000x128xf32>
    %dot_general3A_16 = tpu.matmul %add3A, %get3A_14, %dot_general3A_15 {dimension_numbers = #tpu.dot_dimension_numbers<[1], [0], [0], [1], [0, 0, 1, 1], [], []>, precision = #tpu.contract_precision<fp32>, transpose_lhs_hint = false} : vector<2000x128xf32>, vector<128x128xf32>, vector<2000x128xf32> -> vector<2000x128xf32>
    %get3A_17 = arith.constant 0 : index
    %get3A_18 = arith.constant 0 : index
    %get3A_19 = vector.load %arg6[%get3A_17, %get3A_18] : memref<128x128xf32, #tpu.memory_space<vmem>>, vector<128x128xf32>
    %dot_general3A_20 = arith.constant dense<0.000000e+00> : vector<2000x128xf32>
    %dot_general3A_21 = tpu.matmul %add3A, %get3A_19, %dot_general3A_20 {dimension_numbers = #tpu.dot_dimension_numbers<[1], [0], [0], [1], [0, 0, 1, 1], [], []>, precision = #tpu.contract_precision<fp32>, transpose_lhs_hint = false} : vector<2000x128xf32>, vector<128x128xf32>, vector<2000x128xf32> -> vector<2000x128xf32>
    %get3A_22 = arith.constant 0 : index
    %get3A_23 = arith.constant 0 : index
    %get3A_24 = vector.load %arg4[%get3A_22, %get3A_23] : memref<2000x128xf32, #tpu.memory_space<vmem>>, vector<2000x128xf32>
    %mul3A_25 = arith.mulf %rsqrt3A, %rsqrt3A : vector<2000x128xf32>
    %mul3A_26 = arith.mulf %get3A_24, %dot_general3A_16 : vector<2000x128xf32>
    %mul3A_27 = arith.mulf %mul3A_26, %dot_general3A_21 : vector<2000x128xf32>
    %mul3A_28 = arith.mulf %mul3A_27, %mul3A_25 : vector<2000x128xf32>
    %swap3A = arith.constant 0 : index
    %swap3A_29 = arith.constant 0 : index
    %swap3A_30 = vector.load %arg8[%swap3A, %swap3A_29] : memref<2000x128xf32, #tpu.memory_space<vmem>>, vector<2000x128xf32>
    tpu.vector_store %arg8[%swap3A, %swap3A_29], %mul3A_28 {strides = array<i32>} : memref<2000x128xf32, #tpu.memory_space<vmem>>, vector<2000x128xf32>,
    %lt3A = arith.constant 3.600000e+01 : f32
    %lt3A_31 = vector.broadcast %lt3A : f32 to vector<2000x128xf32>
    %lt3A_32 = arith.cmpf olt, %dot_general3A_11, %lt3A_31 : vector<2000x128xf32>
    %jit3A = arith.constant 0.000000e+00 : f32
    %broadcast_in_dim3A = vector.broadcast %jit3A : f32 to vector<2000x128xf32>
    %select_n3A = arith.select %lt3A_32, %rsqrt3A, %broadcast_in_dim3A : vector<2000x128xi1>, vector<2000x128xf32>
    %mul3A_33 = arith.mulf %dot_general3A_16, %select_n3A : vector<2000x128xf32>
    %swap3A_34 = arith.constant 0 : index
    %swap3A_35 = arith.constant 0 : index
    %swap3A_36 = vector.load %arg9[%swap3A_34, %swap3A_35] : memref<2000x128xf32, #tpu.memory_space<vmem>>, vector<2000x128xf32>
    tpu.vector_store %arg9[%swap3A_34, %swap3A_35], %mul3A_33 {strides = array<i32>} : memref<2000x128xf32, #tpu.memory_space<vmem>>, vector<2000x128xf32>,
    %mul3A_37 = arith.mulf %dot_general3A_21, %select_n3A : vector<2000x128xf32>
    %swap3A_38 = arith.constant 0 : index
    %swap3A_39 = arith.constant 0 : index
    %swap3A_40 = vector.load %arg10[%swap3A_38, %swap3A_39] : memref<2000x128xf32, #tpu.memory_space<vmem>>, vector<2000x128xf32>
    tpu.vector_store %arg10[%swap3A_38, %swap3A_39], %mul3A_37 {strides = array<i32>} : memref<2000x128xf32, #tpu.memory_space<vmem>>, vector<2000x128xf32>,
    return
  }
  func.func @transform_0(%arg0: i32) -> (i32, i32) {
    %c0_i32 = arith.constant 0 : i32
    %c0_i32_0 = arith.constant 0 : i32
    return %arg0, %c0_i32 : i32, i32
  }
  func.func @transform_1(%arg0: i32) -> (i32, i32) {
    %c0_i32 = arith.constant 0 : i32
    %c0_i32_0 = arith.constant 0 : i32
    return %arg0, %c0_i32 : i32, i32
  }
  func.func @transform_2(%arg0: i32) -> (i32, i32) {
    %c0_i32 = arith.constant 0 : i32
    %c0_i32_0 = arith.constant 0 : i32
    return %arg0, %c0_i32 : i32, i32
  }
  func.func @transform_3(%arg0: i32) -> (i32, i32) {
    %c0_i32 = arith.constant 0 : i32
    %c0_i32_0 = arith.constant 0 : i32
    return %arg0, %c0_i32 : i32, i32
  }
  func.func @transform_4(%arg0: i32) -> (i32, i32) {
    %c0_i32 = arith.constant 0 : i32
    %c0_i32_0 = arith.constant 0 : i32
    %c0_i32_1 = arith.constant 0 : i32
    return %c0_i32, %c0_i32_0 : i32, i32
  }
  func.func @transform_5(%arg0: i32) -> (i32, i32) {
    %c0_i32 = arith.constant 0 : i32
    %c0_i32_0 = arith.constant 0 : i32
    %c0_i32_1 = arith.constant 0 : i32
    return %c0_i32, %c0_i32_0 : i32, i32
  }
  func.func @transform_6(%arg0: i32) -> (i32, i32) {
    %c0_i32 = arith.constant 0 : i32
    %c0_i32_0 = arith.constant 0 : i32
    %c0_i32_1 = arith.constant 0 : i32
    return %c0_i32, %c0_i32_0 : i32, i32
  }
  func.func @transform_7(%arg0: i32) -> (i32, i32) {
    %c0_i32 = arith.constant 0 : i32
    %c0_i32_0 = arith.constant 0 : i32
    return %arg0, %c0_i32 : i32, i32
  }
  func.func @transform_8(%arg0: i32) -> (i32, i32) {
    %c0_i32 = arith.constant 0 : i32
    %c0_i32_0 = arith.constant 0 : i32
    return %arg0, %c0_i32 : i32, i32
  }
  func.func @transform_9(%arg0: i32) -> (i32, i32) {
    %c0_i32 = arith.constant 0 : i32
    %c0_i32_0 = arith.constant 0 : i32
    return %arg0, %c0_i32 : i32, i32
  }
}

</mosaic_0001>

<sc_bundles>
// kernel: kernel.10.cloned.1.call-start
scs
__scs_entry_jumppad:
0x0: {  	(pc) =	sbr.rel $0x88, $3  }
0x1: {  	(tag) =	ssettag $0x0;
	lr =	simm.s32 $0x1  }
0x2: {  	[smem:$0x3F8B] =	sst lr;
	_ =	strace $0xD0000000  }
0x3: {  	_ = 	snop  }
0x4: {  	_ = 	snop  }
0x5: {  	_ = 	snop  }
0x6: {  	_ = 	snop  }
0x7: {  	_ = 	snop  }
__scs_overlays_trampoline_lowered:
0x8: {  	[smem:$0x3F9A] =	sst s0  }
0x9: {  	[smem:$0x3F9B] =	sst s1  }
0xa: {  	[smem:$0x3F9C] =	sst s2  }
0xb: {  	[smem:$0x3F9D] =	sst s3  }
0xc: {  	[smem:$0x3F9E] =	sst s4  }
0xd: {  	[smem:$0x3F9F] =	sst s5  }
0xe: {  	[smem:$0x3FA0] =	sst s6  }
0xf: {  	[smem:$0x3FA1] =	sst s7  }
0x10: {  	[smem:$0x3FA2] =	sst s8  }
0x11: {  	[smem:$0x3FA3] =	sst s9;
	s0 =	simm.s32 @!p0 $0x0  }
0x12: {  	s1 =	sld [smem:$0x3F89];
	s0 =	simm.s32 @p0 $0x1  }
0x13: {  	[smem:$0x3FA4] =	sst s0;
	s0 =	simm.s32 @!p1 $0x0  }
0x14: {  	s2 =	sld [smem:$0x3F88];
	s0 =	simm.s32 @p1 $0x1  }
0x15: {  	[smem:$0x3FA5] =	sst s0;
	s0 =	simm.s32 @!p2 $0x0  }
0x16: {  	s3 =	sld [smem:$0x3FDB];
	s0 =	simm.s32 @p2 $0x1  }
0x17: {  	s4 =	simm.s32 $0x1BF5;
	[smem:$0x3FA7] =	sst s0  }
0x18: {  	s0 =	sld [smem:$0x3F8A];
	_ =	swait.ge [sflag:s4], $0x0  }
0x19: {  	s7 =	sld [smem:$0x3F8B]  }
0x1a: {  	s8 =	sadd.s32 $0xFFFFE003, lr  }
0x1b: {  	s9 =	sadd.s32 $0xFFFFFEF7, lr;
	s5 =	simm.s32 $0xFFFFFFFF;
	p2 =	slt.u32 s8, $0xFFFFF086  }
0x1c: {  	p1 =	slt.u32 s9, $0xF7A;
	s5 =	simm.s32 @!p2 $0x0  }
0x1d: {  	s5 =	simm.s32 @p1 $0x1;
	p0 =	seq.s32 s7, s2  }
0x1e: {  	s7 =	smul.u32 @!p0 $0xF7A, s2;
	p2 =	seq.s32 @!p0 s5, $0x0  }
0x1f: {  	s9 =	smul.u32 $0xF7A, s1;
	s8 =	simm.s32 @!p0 $0x1BF5;
	p2 =	por !p2, p0  }
0x20: {  	[sflag:s8] =	ssyncset.s32 @!p0 $0xFFFFF086;
	s6 =	sadd.s32 @!p0 s3, s7;
	s7 =	simm.s32 @!p0 $0x108  }
0x21: {  	s3 =	sadd.s32 s3, s9;
	s6 =	sadd.s32 @!p0 $0x88, s6;
	s7 =	simm.s32 @p2 $0x1082  }
0x22: {  	[simem:s7], [sflag:s8] =	dma.local @!p0 [hbm:s6], $0xF7A  }
0x23: {  	s9 =	sor.u32 $0xD0000000, s2;
	s6 =	simm.s32 $0x108;
	_ =	swait.ge @!p0 [sflag:s8], $0x0  }
0x24: {  	s3 =	sadd.s32 $0x88, s3;
	s6 =	simm.s32 @!p1 $0x1082;
	[sflag:s4] =	ssyncset.s32 $0xFFFFF086  }
0x25: {  	[simem:s6], [sflag:s4] =	dma.local [hbm:s3], $0xF7A  }
0x26: {  	[smem:$0x3F8B] =	sst s1;
	(tag) =	ssettag s2;
	_ =	strace s9  }
0x27: {  	s1 =	sld [smem:$0x3F9B]  }
0x28: {  	s2 =	sld [smem:$0x3F9C]  }
0x29: {  	s4 =	sld [smem:$0x3F9E]  }
0x2a: {  	p0 =	seq.s32 s5, $0x0;
	s5 =	sld [smem:$0x3F9F]  }
0x2b: {  	s6 =	sld [smem:$0x3FA0]  }
0x2c: {  	s7 =	sld [smem:$0x3FA1]  }
0x2d: {  	s3 =	simm.s32 $0x108;
	s8 =	sld [smem:$0x3FA2]  }
0x2e: {  	s3 =	simm.s32 @!p0 $0x1082;
	s9 =	sld [smem:$0x3FA3]  }
0x2f: {  	lr =	sadd.s32 s0, s3;
	s0 =	sld [smem:$0x3F9A]  }
0x30: {  	s3 =	sld [smem:$0x3F9D]  }
0x31: {  	[smem:$0x3FA6] =	sst s10  }
0x32: {  	s10 =	sld [smem:$0x3FA4];
	_ =	sdelay $0x3  }
0x33: {  	p0 =	seq.s32 s10, $0x1;
	s10 =	sld [smem:$0x3FA6];
	_ =	sdelay $0x3  }
0x34: {  	[smem:$0x3FA6] =	sst s10  }
0x35: {  	s10 =	sld [smem:$0x3FA5];
	_ =	sdelay $0x3  }
0x36: {  	p1 =	seq.s32 s10, $0x1;
	s10 =	sld [smem:$0x3FA6];
	_ =	sdelay $0x3  }
0x37: {  	[smem:$0x3FA6] =	sst s10  }
0x38: {  	s10 =	sld [smem:$0x3FA7]  }
0x39: {  	_ = 	snop;
	(pc) =	sbr.ind lr, $3  }
0x3a: {  	_ = 	snop  }
0x3b: {  	_ = 	snop  }
0x3c: {  	p2 =	seq.s32 s10, $0x1;
	s10 =	sld [smem:$0x3FA6]  }
0x3d: {  	_ =	shalt  }
0x3e: {  	_ =	shalt  }
0x3f: {  	_ =	shalt  }
0x40: {  	_ =	shalt  }
0x41: {  	_ =	shalt  }
0x42: {  	_ =	shalt  }
0x43: {  	_ =	shalt  }
0x44: {  	_ =	shalt  }
0x45: {  	_ =	shalt  }
0x46: {  	_ =	shalt  }
0x47: {  	_ =	shalt  }
0x48: {  	_ =	shalt  }
0x49: {  	_ =	shalt  }
0x4a: {  	_ =	shalt  }
0x4b: {  	_ =	shalt  }
0x4c: {  	_ =	shalt  }
0x4d: {  	_ =	shalt  }
0x4e: {  	_ =	shalt  }
0x4f: {  	_ =	shalt  }
0x50: {  	_ =	shalt  }
0x51: {  	_ =	shalt  }
0x52: {  	_ =	shalt  }
0x53: {  	_ =	shalt  }
0x54: {  	_ =	shalt  }
0x55: {  	_ =	shalt  }
0x56: {  	_ =	shalt  }
0x57: {  	_ =	shalt  }
0x58: {  	_ =	shalt  }
0x59: {  	_ =	shalt  }
0x5a: {  	_ =	shalt  }
0x5b: {  	_ =	shalt  }
0x5c: {  	_ =	shalt  }
0x5d: {  	_ =	shalt  }
0x5e: {  	_ =	shalt  }
0x5f: {  	_ =	shalt  }
0x60: {  	_ =	shalt  }
0x61: {  	_ =	shalt  }
0x62: {  	_ =	shalt  }
0x63: {  	_ =	shalt  }
0x64: {  	_ =	shalt  }
0x65: {  	_ =	shalt  }
0x66: {  	_ =	shalt  }
0x67: {  	_ =	shalt  }
0x68: {  	_ =	shalt  }
0x69: {  	_ =	shalt  }
0x6a: {  	_ =	shalt  }
0x6b: {  	_ =	shalt  }
0x6c: {  	_ =	shalt  }
0x6d: {  	_ =	shalt  }
0x6e: {  	_ =	shalt  }
0x6f: {  	_ =	shalt  }
0x70: {  	_ =	shalt  }
0x71: {  	_ =	shalt  }
0x72: {  	_ =	shalt  }
0x73: {  	_ =	shalt  }
0x74: {  	_ =	shalt  }
0x75: {  	_ =	shalt  }
0x76: {  	_ =	shalt  }
0x77: {  	_ =	shalt  }
0x78: {  	_ =	shalt  }
0x79: {  	_ =	shalt  }
0x7a: {  	_ =	shalt  }
0x7b: {  	_ =	shalt  }
0x7c: {  	_ =	shalt  }
0x7d: {  	_ =	shalt  }
0x7e: {  	_ =	shalt  }
0x7f: {  	_ =	shalt  }
0x80: {  	_ =	shalt  }
0x81: {  	_ =	shalt  }
0x82: {  	_ =	shalt  }
0x83: {  	_ =	shalt  }
0x84: {  	_ =	shalt  }
0x85: {  	_ =	shalt  }
0x86: {  	_ =	shalt  }
0x87: {  	_ =	shalt  }
.Lfunc_end0:
.L_simem_size_0:
called_computation.1_lowered:
.L_overlay_start_0:
0x88: {  	s2 =	sld [smem:$0x3FD9]  }
0x89: {  	s3 =	sld [smem:$0x3FFE];
	_ =	sdelay $0x1  }
0x8a: {  	s1 =	srdreg.scid  }
0x8b: {  	s0 =	sand.u32 $0x1, s1  }
0x8c: {  	s16 =	sshll.u32 s0, $0xA;
	s2 =	sadd.s32 s3, s2  }
0x8d: {  	s2 =	sadd.s32 s2, s16  }
0x8e: {  	[smem:$0x3FB2] =	sst s2  }
0x8f: {  	_ = 	snop  }
0x90: {  	(tm) =	ssettm $0x1  }
0x91: {  	s17 =	sld [smem:$0x3FFB];
	_ =	sdelay $0x3  }
0x92: {  	_ =	strace s17  }
0x93: {  	s2 =	sld [smem:$0x3FFC];
	_ =	sdelay $0x3  }
0x94: {  	_ =	strace s2  }
0x95: {  	s2 =	sld [smem:$0x3FFD];
	_ =	sdelay $0x3  }
0x96: {  	_ =	strace s2  }
0x97: {  	_ =	strace $0x8FFFFFFF  }
0x98: {  	s18 =	sld [smem:$0x3FDB];
	_ =	sdelay $0x1  }
0x99: {  	s19 =	simm.s32 $_scs_section_size  }
0x9a: {  	s4 =	simm.s32 $_size__tile_overlayer_lowered;
	s5 =	simm.s32 $_tile_overlayer_lowered  }
0x9b: {  	s22 =	simm.s32 $0x1BFF;
	s21 =	sshll.u32 s5, $0x1;
	s2 =	sadd.s32 s19, s18  }
0x9c: {  	s6 =	simm.s32 $0x0;
	s20 =	sshll.u32 s4, $0x1;
	s4 =	sadd.s32 s21, s2  }
0x9d: {  	[timem:s6], [sflag:s22] =	dma.local [hbm:s4], s20  }
0x9e: {  	_ =	swait.ge [sflag:s22], s20  }
0x9f: {  	s3 =	ssub.s32 $0x0, s20;
	[sflag:s22] =	ssyncset.done $0x0  }
0xa0: {  	[sflag:s22] =	ssyncadd.s32 s3;
	_ =	sdelay $0x1  }
0xa1: {  	s23 =	simm.s32 $0x1B8B  }
0xa2: {  	_ =	swait.ge [sflag:s23], $0x1  }
0xa3: {  	[sflag:s23] =	ssyncset.done $0x0  }
0xa4: {  	s25 =	simm.s32 $0x1B8E;
	s24 =	sld [smem:$0x3FFE];
	[sflag:s23] =	ssyncadd.s32 $0xFFFFFFFF  }
0xa5: {  	s26 =	simm.s32 $execute0_lowered;
	[smem:$0x3FD2] =	sst s25  }
0xa6: {  	s4 =	sshll.u32 s26, $0x1;
	_ =	strace $0x80000049;
	[dreg:$0x1] =	wrdreg $0xFFFFFFFF  }
0xa7: {  	s28 =	simm.s32 $_size_execute0_lowered;
	s2 =	sadd.s32 s2, s4;
	[dreg:$0x0] =	wrdreg $0x0  }
0xa8: {  	s4 =	sshll.u32 s28, $0x1;
	[dreg:$0x2] =	wrdreg s2  }
0xa9: {  	[dreg:$0x3] =	wrdreg s4  }
0xaa: {  	[dreg:$0x4] =	wrdreg $0xC0  }
0xab: {  	_ =	task [dreg:s6], $0x5FFFF  }
0xac: {  	[dreg:$0x1] =	wrdreg $0xFFFFFFFF  }
0xad: {  	[dreg:$0x0] =	wrdreg $0x60  }
0xae: {  	[dreg:$0x2] =	wrdreg s24  }
0xaf: {  	[dreg:$0x3] =	wrdreg $0x0  }
0xb0: {  	[dreg:$0x4] =	wrdreg $0x9  }
0xb1: {  	_ =	task.clear_ibuf [dreg:s6], $0x5FFFF;
	_ =	strace $0x90000049  }
0xb2: {  	s29 =	simm.s32 $0x9;
	_ =	strace $0x8000004B  }
0xb3: {  	_ =	swait.ge [sflag:s29], $0x1  }
0xb4: {  	[sflag:s29] =	ssyncadd.s32 $0xFFFFFFFF  }
0xb5: {  	_ =	strace $0x9000004B  }
0xb6: {  	_ =	sfence  }
0xb7: {  	s30 =	sld [smem:$0x0];
	_ =	sdelay $0x2  }
0xb8: {  	s31 =	sshll.u32 s1, $0xD;
	s1 =	sshrl.u32 s1, $0x2  }
0xb9: {  	s3 =	sand.u32 $0x4000, s31;
	s1 =	sadd.s32 s1, s30  }
0xba: {  	s0 =	sor.u32 s3, s0;
	s1 =	sshll.u32 s1, $0x11  }
0xbb: {  	s0 =	sor.u32 s1, s0  }
0xbc: {  	s0 =	sadd.s32 $0x8F2B, s0  }
0xbd: {  	[sflag:s0] =	ssyncadd.remote.s32 $0x1  }
0xbe: {  	_ =	sfence.sel $0xFFFF  }
0xbf: {  	[dreg:$0x0] =	wrdreg $0xFFFFFFFF;
	(pc) =	sbr.abs _section_cstart, $3  }
0xc0: {  	[dreg:$0x1] =	wrdreg $0xFFFFFFFF  }
0xc1: {  	_ =	task.clear_ibuf [dreg:s6], $0x2FFFF;
	_ =	strace $0x9FFFFFFF  }
0xc2: {  	(tm) =	ssettm $0x7FFFFFFF  }
0xc3: {  	_ =	shalt  }
tec
execute0_lowered:
.L_overlay_start_1:
0x0: {  	(tag) =	ssettag $0x1  }
0x1: {  	s0 =	rddreg [dreg:$0x0];
	s14 =	stileid.u32  }
0x2: {  	s1 =	srdreg.scid;
	s2 =	rddreg [dreg:$0x1]  }
0x3: {  	s3 =	simm.s32 $0x0;
	s19 =	simm.s32 $0xC768;
	s20 =	simm.s32 $0x1  }
0x4: {  	s21 =	simm.s32 $0xC380;
	s22 =	simm.s32 $0x3E8;
	s4 =	smul.u32 $0xC350, s14  }
0x5: {  	s23 =	simm.s32 $0x105E8;
	s24 =	simm.s32 $0x109D0;
	s6 =	smul.u32 $0x186A0, s14  }
0x6: {  	s25 =	simm.s32 $0x10DB8;
	s28 =	simm.s32 $0x15418;
	s10 =	smul.u32 $0xC380, s14  }
0x7: {  	s1 =	sand.u32 $0x1, s1;
	s7 =	sadd.s32 $0x529800, s0;
	s8 =	sadd.s32 $0x4F8A00, s0  }
0x8: {  	[smem:$0x7FF] =	sst s3;
	s9 =	sadd.s32 $0x4C7C00, s0;
	s13 =	smul.u32 $0x30E00, s14  }
0x9: {  	s14 =	sshll.u32 s14, $0x1;
	s5 =	smul.u32 $0x61A8, s1;
	_ =	strace $0x8000004A  }
0xa: {  	s11 =	smul.u32 $0xC3800, s1;
	s12 =	ssub.s32 $0x2, s1;
	s14 =	sor.u32 s1, s14  }
0xb: {  	s1 =	smul.u32 $0xC350, s1;
	s16 =	sadd.s32 s6, s0;
	s6 =	sadd.s32 $0x55A600, s0  }
0xc: {  	s29 =	sshrl.u32 s12, $0x1;
	s30 =	sshrl.u32 s13, $0x2;
	s14 =	smul.u32 $0xC350, s14  }
0xd: {  	s4 =	sadd.s32 s5, s4;
	s5 =	sadd.s32 $0xAE2A00, s0;
	s11 =	sadd.s32 s10, s11  }
0xe: {  	s17 =	ssub.s32 s12, s29;
	s10 =	sadd.s32 s10, s2;
	s13 =	sadd.s32 s30, s2  }
0xf: {  	s31 =	sadd.s32 s1, s16;
	s26 =	sshrl.u32 s4, $0x3;
	s4 =	sadd.s32 $0x95C000, s0  }
0x10: {  	s11 =	sshrl.u32 s11, $0x3;
	s12 =	sadd.s32 $0x7D00, s13;
	s16 =	smax.u32 s17, $0x1  }
0x11: {  	s17 =	sadd.s32 $0x7D5600, s31;
	s18 =	sadd.s32 s26, s0;
	s0 =	sadd.s32 s11, s0  }
0x12: {  	s11 =	sadd.s32 $0x3E80, s13;
	s13 =	sadd.s32 $0xBB80, s13;
	s26 =	simm.s32 $0x11598  }
0x13: {  	v0 =	vimm.f32 $0.0e+00;
	[dreg:$0x3] =	wrdreg s11;
	s15 =	sadd.s32 $0x58B400, s0;
	s18 =	sadd.s32 $0x1B600, s18  }
.LBB2_1:
0x14: {  	s0 =	simm.s32 $0x40;
	s1 =	simm.s32 $0x0  }
.LBB2_2:
0x15: {  	p0 =	sne.s32 s0, $0xF9C0;
	[tilespmem:s1+$0xC768] =	vst v0;
	s1 =	smov.u32 s0;
	s0 =	sadd.s32 $0x40, s0  }
.Ltmp0:
0x16: {  	(pc) =	sbr.rel @p0 .LBB2_2-.Ltmp0, $2  }
0x17: {  	_ =	sdelay $0x2  }
0x18: {  	s1 =	sshra.s32 s1, $0x2  }
0x19: {  	[tilespmem:s1+$0xC768] =	vst v0  }
0x1a: {  	[spmem:s10] =	stream.linear.scatter [tilespmem:s19], [sflag:$0x1], $0x3E80, $0x38;
	[tilespmem:$0x19298] =	vst v63  }
0x1b: {  	_ =	swait.ge [sflag:s20], $0x3E80  }
0x1c: {  	[sflag:s20] =	ssyncset.done $0x0  }
0x1d: {  	s0 =	rddreg [dreg:$0x3];
	[sflag:s20] =	ssyncadd.s32 $0xFFFFC180  }
0x1e: {  	[spmem:s0] =	stream.linear.scatter [tilespmem:s19], [sflag:$0x1], $0x3E80, $0x38;
	[tilespmem:$0x19298] =	vst v63  }
0x1f: {  	_ =	swait.ge [sflag:s20], $0x3E80  }
0x20: {  	[sflag:s20] =	ssyncset.done $0x0  }
0x21: {  	[sflag:s20] =	ssyncadd.s32 $0xFFFFC180  }
0x22: {  	[spmem:s12] =	stream.linear.scatter [tilespmem:s19], [sflag:$0x1], $0x3E80, $0x38;
	[tilespmem:$0x19298] =	vst v63  }
0x23: {  	_ =	swait.ge [sflag:s20], $0x3E80  }
0x24: {  	[sflag:s20] =	ssyncset.done $0x0  }
0x25: {  	[sflag:s20] =	ssyncadd.s32 $0xFFFFC180  }
0x26: {  	[spmem:s13] =	stream.linear.scatter [tilespmem:s19], [sflag:$0x1], $0x800, $0x38;
	[tilespmem:$0x19298] =	vst v63  }
0x27: {  	_ =	swait.ge [sflag:s20], $0x800  }
0x28: {  	[sflag:s20] =	ssyncset.done $0x0  }
0x29: {  	[sflag:s20] =	ssyncadd.s32 $0xFFFFF800  }
0x2a: {  	s29 =	simm.s32 $0x0;
	s11 =	sadd.s32 $0x0, s18;
	[bflag:$0x0] =	sbarrier.arrive $0xFFFF  }
0x2b: {  	[tilespmem:s21], [sflag:$0x1] =	stream.linear.gather [hbm4b:s11+s29], $0x3E8, $0x38;
	[tilespmem:$0x19298] =	vst v63  }
0x2c: {  	_ =	swait.ge [sflag:s20], $0x3E8  }
0x2d: {  	[sflag:s20] =	ssyncset.done $0x0  }
0x2e: {  	[sflag:s20] =	ssyncadd.s32 $0xFFFFFC18  }
0x2f: {  	[tilespmem:s19], [sflag:$0x1] =	stream.linear.gather [hbm4b:s17+s29], $0x3E80, $0x38;
	[tilespmem:$0x19298] =	vst v63  }
0x30: {  	_ =	swait.ge [sflag:s20], $0x3E80  }
0x31: {  	[sflag:s20] =	ssyncset.done $0x0  }
0x32: {  	[sflag:s20] =	ssyncadd.s32 $0xFFFFC180  }
0x33: {  	[spmem:s2] =	stream.indirect.scatter.add.f32 [tilespmem:s19], [sflag:$0x1], $0x10, s21, s22, $0xb8;
	[tilespmem:$0x19298] =	vst v63  }
0x34: {  	s31 =	simm.s32 $0x7D;
	_ =	swait.ge [sflag:s20], $0x3E80  }
0x35: {  	s30 =	sadd.s32 $0x7D0, s17;
	s0 =	simm.s32 $0xFA;
	[sflag:s20] =	ssyncset.done $0x0  }
.LBB2_4:
0x36: {  	s1 =	sadd.s32 s31, s18  }
0x37: {  	[sflag:s20] =	ssyncadd.s32 $0xFFFFC180;
	s31 =	smov.u32 s0;
	s11 =	sadd.s32 $0x7D, s0  }
0x38: {  	[tilespmem:s21], [sflag:$0x1] =	stream.linear.gather [hbm4b:s1+s29], $0x3E8, $0x38;
	[tilespmem:$0x19298] =	vst v63  }
0x39: {  	p0 =	sne.s32 s0, $0xBB8;
	_ =	swait.ge [sflag:s20], $0x3E8  }
0x3a: {  	[sflag:s20] =	ssyncset.done $0x0  }
0x3b: {  	[sflag:s20] =	ssyncadd.s32 $0xFFFFFC18  }
0x3c: {  	[tilespmem:s19], [sflag:$0x1] =	stream.linear.gather [hbm4b:s30+s29], $0x3E80, $0x38;
	[tilespmem:$0x19298] =	vst v63  }
0x3d: {  	_ =	swait.ge [sflag:s20], $0x3E80  }
.Ltmp1:
0x3e: {  	[sflag:s20] =	ssyncset.done $0x0;
	(pc) =	sbr.rel @p0 .LBB2_4-.Ltmp1, $4  }
0x3f: {  	[sflag:s20] =	ssyncadd.s32 $0xFFFFC180  }
0x40: {  	[spmem:s2] =	stream.indirect.scatter.add.f32 [tilespmem:s19], [sflag:$0x1], $0x10, s21, s22, $0xb8;
	[tilespmem:$0x19298] =	vst v63  }
0x41: {  	_ =	swait.ge [sflag:s20], $0x3E80  }
0x42: {  	s0 =	smov.u32 s11;
	s30 =	sadd.s32 $0x7D0, s30;
	[sflag:s20] =	ssyncset.done $0x0  }
0x43: {  	s0 =	sadd.s32 s31, s18;
	[sflag:s20] =	ssyncadd.s32 $0xFFFFC180  }
0x44: {  	[tilespmem:s21], [sflag:$0x1] =	stream.linear.gather [hbm4b:s0+s29], $0x3E8, $0x38;
	[tilespmem:$0x19298] =	vst v63  }
0x45: {  	_ =	swait.ge [sflag:s20], $0x3E8  }
0x46: {  	[sflag:s20] =	ssyncset.done $0x0  }
0x47: {  	[sflag:s20] =	ssyncadd.s32 $0xFFFFFC18  }
0x48: {  	[tilespmem:s19], [sflag:$0x1] =	stream.linear.gather [hbm4b:s30+s29], $0x3E80, $0x38;
	[tilespmem:$0x19298] =	vst v63  }
0x49: {  	_ =	swait.ge [sflag:s20], $0x3E80  }
0x4a: {  	[sflag:s20] =	ssyncset.done $0x0  }
0x4b: {  	[sflag:s20] =	ssyncadd.s32 $0xFFFFC180  }
0x4c: {  	[spmem:s2] =	stream.indirect.scatter.add.f32 [tilespmem:s19], [sflag:$0x1], $0x10, s21, s22, $0xb8;
	[tilespmem:$0x19298] =	vst v63  }
0x4d: {  	_ =	swait.ge [sflag:s20], $0x3E80  }
0x4e: {  	[sflag:s20] =	ssyncset.done $0x0  }
0x4f: {  	[sflag:s20] =	ssyncadd.s32 $0xFFFFC180  }
.LBB2_6:
0x50: {  	s0 =	smul.u32 $0x3E8, s29;
	_ =	sdelay $0x1  }
0x51: {  	s0 =	sadd.s32 s14, s0  }
0x52: {  	s0 =	sshrl.u32 s0, $0x3  }
0x53: {  	s11 =	simm.s32 $0x0;
	s1 =	sadd.s32 s6, s0  }
0x54: {  	[tilespmem:s23], [sflag:$0x1] =	stream.linear.gather [hbm4b:s1+s11], $0x3E8, $0x38;
	[tilespmem:$0x19298] =	vst v63  }
0x55: {  	_ =	swait.ge [sflag:s20], $0x3E8  }
0x56: {  	[sflag:s20] =	ssyncset.done $0x0  }
0x57: {  	s1 =	sadd.s32 s7, s0;
	[sflag:s20] =	ssyncadd.s32 $0xFFFFFC18  }
0x58: {  	[tilespmem:s24], [sflag:$0x1] =	stream.linear.gather [hbm4b:s1+s11], $0x3E8, $0x38;
	[tilespmem:$0x19298] =	vst v63  }
0x59: {  	_ =	swait.ge [sflag:s20], $0x3E8  }
0x5a: {  	[sflag:s20] =	ssyncset.done $0x0  }
0x5b: {  	s1 =	sadd.s32 s8, s0;
	[sflag:s20] =	ssyncadd.s32 $0xFFFFFC18  }
0x5c: {  	[tilespmem:s25], [sflag:$0x1] =	stream.linear.gather [hbm4b:s1+s11], $0x3E8, $0x38;
	[tilespmem:$0x19298] =	vst v63  }
0x5d: {  	_ =	swait.ge [sflag:s20], $0x3E8  }
0x5e: {  	[sflag:s20] =	ssyncset.done $0x0  }
0x5f: {  	s30 =	simm.s32 $0x111A0;
	s0 =	sadd.s32 s9, s0;
	[sflag:s20] =	ssyncadd.s32 $0xFFFFFC18  }
0x60: {  	[tilespmem:s30], [sflag:$0x1] =	stream.linear.gather [hbm4b:s0+s11], $0x3E8, $0x38;
	[tilespmem:$0x19298] =	vst v63  }
0x61: {  	_ =	swait.ge [sflag:s20], $0x3E8  }
0x62: {  	[sflag:s20] =	ssyncset.done $0x0  }
0x63: {  	[sflag:s20] =	ssyncadd.s32 $0xFFFFFC18  }
0x64: {  	[tilespmem:s26], [sflag:$0x1] =	stream.indirect.gather [hbm4b:s4+s22], $0x10, s23, s22, $0xb8;
	[tilespmem:$0x19298] =	vst v63  }
0x65: {  	_ =	swait.ge [sflag:s20], $0x3E80  }
0x66: {  	[sflag:s20] =	ssyncset.done $0x0  }
0x67: {  	[sflag:s20] =	ssyncadd.s32 $0xFFFFC180  }
0x68: {  	[tilespmem:s28], [sflag:$0x1] =	stream.indirect.gather [hbm4b:s5+s22], $0x10, s24, s22, $0xb8;
	[tilespmem:$0x19298] =	vst v63  }
0x69: {  	_ =	swait.ge [sflag:s20], $0x3E80  }
0x6a: {  	[sflag:s20] =	ssyncset.done $0x0  }
0x6b: {  	s31 =	simm.s32 $0x0;
	[sflag:s20] =	ssyncadd.s32 $0xFFFFC180  }
0x6c: {  	v1 =	vld [tilespmem:s31+$0x11598]  }
0x6d: {  	v2 =	vld [tilespmem:s31+$0x15418];
	_ =	sdelay $0x1  }
0x6e: {  	v3 =	vld.msk [tilespmem:s30+$0x0 ss:$0x0], $0xffff;
	_ =	sdelay $0x2  }
0x6f: {  	v1 =	vmul.f32 v2, v1;
	_ =	sdelay $0x1  }
0x70: {  	s1 =	simm.s32 $0x10;
	v2 =	vmul.f32 v1, v3  }
0x71: {  	s0 =	simm.s32 $0x80;
	v1 =	vld [tilespmem:s1+$0x11598]  }
.LBB2_7:
0x72: {  	p0 =	sne.s32 s0, $0xF9C0;
	v3 =	vld [tilespmem:s1+$0x15418];
	[tilespmem:s31+$0xC768] =	vst v2;
	s30 =	sadd.s32 $0x1, s30;
	s31 =	smov.u32 s1  }
0x73: {  	v2 =	vld.msk [tilespmem:s30+$0x0 ss:$0x0], $0xffff;
	_ =	sdelay $0x2  }
.Ltmp2:
0x74: {  	(pc) =	sbr.rel @p0 .LBB2_7-.Ltmp2, $3  }
0x75: {  	v1 =	vmul.f32 v3, v1;
	_ =	sdelay $0x1  }
0x76: {  	s1 =	sshra.s32 s0, $0x2;
	v2 =	vmul.f32 v1, v2  }
0x77: {  	s0 =	sadd.s32 $0x40, s0;
	v1 =	vld [tilespmem:s1+$0x11598]  }
0x78: {  	v3 =	vld [tilespmem:s1+$0x15418]  }
0x79: {  	[tilespmem:s31+$0xC768] =	vst v2;
	s0 =	sadd.s32 $0x1, s30  }
0x7a: {  	v2 =	vld.msk [tilespmem:s0+$0x0 ss:$0x0], $0xffff;
	_ =	sdelay $0x2  }
0x7b: {  	v1 =	vmul.f32 v3, v1;
	_ =	sdelay $0x1  }
0x7c: {  	s29 =	sadd.s32 $0x1, s29;
	v1 =	vmul.f32 v1, v2  }
0x7d: {  	p0 =	sne.s32 s29, $0x32  }
.Ltmp3:
0x7e: {  	[tilespmem:s1+$0xC768] =	vst v1;
	(pc) =	sbr.rel @p0 .LBB2_6-.Ltmp3, $4  }
0x7f: {  	[spmem:s2] =	stream.indirect.scatter.add.f32 [tilespmem:s19], [sflag:$0x1], $0x10, s25, s22, $0xb8;
	[tilespmem:$0x19298] =	vst v63  }
0x80: {  	_ =	swait.ge [sflag:s20], $0x3E80  }
0x81: {  	[sflag:s20] =	ssyncset.done $0x0  }
0x82: {  	[sflag:s20] =	ssyncadd.s32 $0xFFFFC180  }
0x83: {  	s0 =	stileid.u32;
	s3 =	sadd.s32 $0x1, s3  }
0x84: {  	[bflag:$0x0] =	sbarrier.arrive $0xFFFF;
	s0 =	sshll.u32 s0, $0x6;
	p0 =	sne.s32 s3, s16  }
.Ltmp4:
0x85: {  	s1 =	sshrl.u32 s10, $0x3;
	s0 =	sor.u32 $0x1C01, s0;
	(pc) =	sbr.rel @p0 .LBB2_1-.Ltmp4, $4  }
0x86: {  	[hbm:s15], [sflag:s0] =	dma.local [spmem:s1], $0x1870  }
0x87: {  	_ =	swait.ge [sflag:s20], $0x1870  }
0x88: {  	[sflag:s20] =	ssyncset.done $0x0  }
0x89: {  	[sflag:s20] =	ssyncadd.s32 $0xFFFFE790  }
0x8a: {  	_ =	sfence.sel $0x180000  }
0x8b: {  	[bflag:$0x0] =	sbarrier.arrive $0xFFFF  }
0x8c: {  	_ =	strace $0x9000004A  }
0x8d: {  	s0 =	stileid.u32;
	[bflag:$0x2] =	sbarrier.arrive $0xFFFF  }
0x8e: {  	p0 =	sne.s32 s0, $0x0;
	s0 =	rddreg [dreg:$0x2]  }
0x8f: {  	s0 =	sadd.s32 @!p0 $0x100000, s0  }
0x90: {  	[sflag:s0] =	ssyncadd.tile.s32 @!p0 $0x1;
	_ =	shalt  }
.Lfunc_end2:
_tile_overlayer_lowered:
.L_overlay_start_2:
0x91: {  	(tag) =	ssettag $0x2  }
0x92: {  	s0 =	rddreg [dreg:$0x0];
	s2 =	stileid.u32  }
0x93: {  	s1 =	rddreg [dreg:$0x1];
	p0 =	sne.s32 s2, $0x0  }
0x94: {  	s3 =	rddreg [dreg:$0x2];
	[bflag:$0x3] =	sbarrier.arrive $0xFFFF;
	s2 =	simm.s32 @!p0 $0x1C01  }
0x95: {  	[timem:s3], [sflag:s2] =	dma.local @!p0 [hbm:s0], s1  }
0x96: {  	s0 =	simm.s32 @!p0 $0x1  }
0x97: {  	_ =	swait.ge @!p0 [sflag:s0], s1  }
0x98: {  	s1 =	ssub.s32 @!p0 $0x0, s1;
	[sflag:s0] =	ssyncset.done @!p0 $0x0  }
0x99: {  	[sflag:s0] =	ssyncadd.s32 @!p0 s1  }
0x9a: {  	[bflag:$0x3] =	sbarrier.arrive $0xFFFF  }
0x9b: {  	_ =	shalt  }

// kernel: kernel.7.cloned.1.call-start
scs
__scs_entry_jumppad:
0x0: {  	(pc) =	sbr.rel $0x88, $3  }
0x1: {  	(tag) =	ssettag $0x0;
	lr =	simm.s32 $0x1  }
0x2: {  	[smem:$0x3F8B] =	sst lr;
	_ =	strace $0xD0000000  }
0x3: {  	_ = 	snop  }
0x4: {  	_ = 	snop  }
0x5: {  	_ = 	snop  }
0x6: {  	_ = 	snop  }
0x7: {  	_ = 	snop  }
__scs_overlays_trampoline_lowered:
0x8: {  	[smem:$0x3F9A] =	sst s0  }
0x9: {  	[smem:$0x3F9B] =	sst s1  }
0xa: {  	[smem:$0x3F9C] =	sst s2  }
0xb: {  	[smem:$0x3F9D] =	sst s3  }
0xc: {  	[smem:$0x3F9E] =	sst s4  }
0xd: {  	[smem:$0x3F9F] =	sst s5  }
0xe: {  	[smem:$0x3FA0] =	sst s6  }
0xf: {  	[smem:$0x3FA1] =	sst s7  }
0x10: {  	[smem:$0x3FA2] =	sst s8  }
0x11: {  	[smem:$0x3FA3] =	sst s9;
	s0 =	simm.s32 @!p0 $0x0  }
0x12: {  	s1 =	sld [smem:$0x3F89];
	s0 =	simm.s32 @p0 $0x1  }
0x13: {  	[smem:$0x3FA4] =	sst s0;
	s0 =	simm.s32 @!p1 $0x0  }
0x14: {  	s2 =	sld [smem:$0x3F88];
	s0 =	simm.s32 @p1 $0x1  }
0x15: {  	[smem:$0x3FA5] =	sst s0;
	s0 =	simm.s32 @!p2 $0x0  }
0x16: {  	s3 =	sld [smem:$0x3FDB];
	s0 =	simm.s32 @p2 $0x1  }
0x17: {  	s4 =	simm.s32 $0x1BF5;
	[smem:$0x3FA7] =	sst s0  }
0x18: {  	s0 =	sld [smem:$0x3F8A];
	_ =	swait.ge [sflag:s4], $0x0  }
0x19: {  	s7 =	sld [smem:$0x3F8B]  }
0x1a: {  	s8 =	sadd.s32 $0xFFFFE003, lr  }
0x1b: {  	s9 =	sadd.s32 $0xFFFFFEF7, lr;
	s5 =	simm.s32 $0xFFFFFFFF;
	p2 =	slt.u32 s8, $0xFFFFF086  }
0x1c: {  	p1 =	slt.u32 s9, $0xF7A;
	s5 =	simm.s32 @!p2 $0x0  }
0x1d: {  	s5 =	simm.s32 @p1 $0x1;
	p0 =	seq.s32 s7, s2  }
0x1e: {  	s7 =	smul.u32 @!p0 $0xF7A, s2;
	p2 =	seq.s32 @!p0 s5, $0x0  }
0x1f: {  	s9 =	smul.u32 $0xF7A, s1;
	s8 =	simm.s32 @!p0 $0x1BF5;
	p2 =	por !p2, p0  }
0x20: {  	[sflag:s8] =	ssyncset.s32 @!p0 $0xFFFFF086;
	s6 =	sadd.s32 @!p0 s3, s7;
	s7 =	simm.s32 @!p0 $0x108  }
0x21: {  	s3 =	sadd.s32 s3, s9;
	s6 =	sadd.s32 @!p0 $0x88, s6;
	s7 =	simm.s32 @p2 $0x1082  }
0x22: {  	[simem:s7], [sflag:s8] =	dma.local @!p0 [hbm:s6], $0xF7A  }
0x23: {  	s9 =	sor.u32 $0xD0000000, s2;
	s6 =	simm.s32 $0x108;
	_ =	swait.ge @!p0 [sflag:s8], $0x0  }
0x24: {  	s3 =	sadd.s32 $0x88, s3;
	s6 =	simm.s32 @!p1 $0x1082;
	[sflag:s4] =	ssyncset.s32 $0xFFFFF086  }
0x25: {  	[simem:s6], [sflag:s4] =	dma.local [hbm:s3], $0xF7A  }
0x26: {  	[smem:$0x3F8B] =	sst s1;
	(tag) =	ssettag s2;
	_ =	strace s9  }
0x27: {  	s1 =	sld [smem:$0x3F9B]  }
0x28: {  	s2 =	sld [smem:$0x3F9C]  }
0x29: {  	s4 =	sld [smem:$0x3F9E]  }
0x2a: {  	p0 =	seq.s32 s5, $0x0;
	s5 =	sld [smem:$0x3F9F]  }
0x2b: {  	s6 =	sld [smem:$0x3FA0]  }
0x2c: {  	s7 =	sld [smem:$0x3FA1]  }
0x2d: {  	s3 =	simm.s32 $0x108;
	s8 =	sld [smem:$0x3FA2]  }
0x2e: {  	s3 =	simm.s32 @!p0 $0x1082;
	s9 =	sld [smem:$0x3FA3]  }
0x2f: {  	lr =	sadd.s32 s0, s3;
	s0 =	sld [smem:$0x3F9A]  }
0x30: {  	s3 =	sld [smem:$0x3F9D]  }
0x31: {  	[smem:$0x3FA6] =	sst s10  }
0x32: {  	s10 =	sld [smem:$0x3FA4];
	_ =	sdelay $0x3  }
0x33: {  	p0 =	seq.s32 s10, $0x1;
	s10 =	sld [smem:$0x3FA6];
	_ =	sdelay $0x3  }
0x34: {  	[smem:$0x3FA6] =	sst s10  }
0x35: {  	s10 =	sld [smem:$0x3FA5];
	_ =	sdelay $0x3  }
0x36: {  	p1 =	seq.s32 s10, $0x1;
	s10 =	sld [smem:$0x3FA6];
	_ =	sdelay $0x3  }
0x37: {  	[smem:$0x3FA6] =	sst s10  }
0x38: {  	s10 =	sld [smem:$0x3FA7]  }
0x39: {  	_ = 	snop;
	(pc) =	sbr.ind lr, $3  }
0x3a: {  	_ = 	snop  }
0x3b: {  	_ = 	snop  }
0x3c: {  	p2 =	seq.s32 s10, $0x1;
	s10 =	sld [smem:$0x3FA6]  }
0x3d: {  	_ =	shalt  }
0x3e: {  	_ =	shalt  }
0x3f: {  	_ =	shalt  }
0x40: {  	_ =	shalt  }
0x41: {  	_ =	shalt  }
0x42: {  	_ =	shalt  }
0x43: {  	_ =	shalt  }
0x44: {  	_ =	shalt  }
0x45: {  	_ =	shalt  }
0x46: {  	_ =	shalt  }
0x47: {  	_ =	shalt  }
0x48: {  	_ =	shalt  }
0x49: {  	_ =	shalt  }
0x4a: {  	_ =	shalt  }
0x4b: {  	_ =	shalt  }
0x4c: {  	_ =	shalt  }
0x4d: {  	_ =	shalt  }
0x4e: {  	_ =	shalt  }
0x4f: {  	_ =	shalt  }
0x50: {  	_ =	shalt  }
0x51: {  	_ =	shalt  }
0x52: {  	_ =	shalt  }
0x53: {  	_ =	shalt  }
0x54: {  	_ =	shalt  }
0x55: {  	_ =	shalt  }
0x56: {  	_ =	shalt  }
0x57: {  	_ =	shalt  }
0x58: {  	_ =	shalt  }
0x59: {  	_ =	shalt  }
0x5a: {  	_ =	shalt  }
0x5b: {  	_ =	shalt  }
0x5c: {  	_ =	shalt  }
0x5d: {  	_ =	shalt  }
0x5e: {  	_ =	shalt  }
0x5f: {  	_ =	shalt  }
0x60: {  	_ =	shalt  }
0x61: {  	_ =	shalt  }
0x62: {  	_ =	shalt  }
0x63: {  	_ =	shalt  }
0x64: {  	_ =	shalt  }
0x65: {  	_ =	shalt  }
0x66: {  	_ =	shalt  }
0x67: {  	_ =	shalt  }
0x68: {  	_ =	shalt  }
0x69: {  	_ =	shalt  }
0x6a: {  	_ =	shalt  }
0x6b: {  	_ =	shalt  }
0x6c: {  	_ =	shalt  }
0x6d: {  	_ =	shalt  }
0x6e: {  	_ =	shalt  }
0x6f: {  	_ =	shalt  }
0x70: {  	_ =	shalt  }
0x71: {  	_ =	shalt  }
0x72: {  	_ =	shalt  }
0x73: {  	_ =	shalt  }
0x74: {  	_ =	shalt  }
0x75: {  	_ =	shalt  }
0x76: {  	_ =	shalt  }
0x77: {  	_ =	shalt  }
0x78: {  	_ =	shalt  }
0x79: {  	_ =	shalt  }
0x7a: {  	_ =	shalt  }
0x7b: {  	_ =	shalt  }
0x7c: {  	_ =	shalt  }
0x7d: {  	_ =	shalt  }
0x7e: {  	_ =	shalt  }
0x7f: {  	_ =	shalt  }
0x80: {  	_ =	shalt  }
0x81: {  	_ =	shalt  }
0x82: {  	_ =	shalt  }
0x83: {  	_ =	shalt  }
0x84: {  	_ =	shalt  }
0x85: {  	_ =	shalt  }
0x86: {  	_ =	shalt  }
0x87: {  	_ =	shalt  }
.Lfunc_end0:
.L_simem_size_0:
called_computation_lowered:
.L_overlay_start_0:
0x88: {  	s2 =	sld [smem:$0x3FD9]  }
0x89: {  	s3 =	sld [smem:$0x3FFE];
	_ =	sdelay $0x1  }
0x8a: {  	s1 =	srdreg.scid  }
0x8b: {  	s0 =	sand.u32 $0x1, s1  }
0x8c: {  	s17 =	sshll.u32 s0, $0xA;
	s2 =	sadd.s32 s3, s2  }
0x8d: {  	s2 =	sadd.s32 s2, s17  }
0x8e: {  	[smem:$0x3FB2] =	sst s2  }
0x8f: {  	_ = 	snop  }
0x90: {  	s2 =	sld [smem:$0x3FD0];
	(tm) =	ssettm $0x1  }
0x91: {  	s18 =	sld [smem:$0x3FFB];
	_ =	sdelay $0x3  }
0x92: {  	_ =	strace s18  }
0x93: {  	s3 =	sld [smem:$0x3FFC];
	_ =	sdelay $0x3  }
0x94: {  	_ =	strace s3  }
0x95: {  	s3 =	sld [smem:$0x3FFD];
	_ =	sdelay $0x3  }
0x96: {  	_ =	strace s3  }
0x97: {  	_ =	strace $0x8FFFFFFF  }
0x98: {  	s19 =	sld [smem:$0x3FDB];
	_ =	sdelay $0x1  }
0x99: {  	s4 =	simm.s32 $_scs_section_size  }
0x9a: {  	s5 =	simm.s32 $_size__tile_overlayer_lowered;
	s6 =	simm.s32 $_tile_overlayer_lowered  }
0x9b: {  	s22 =	simm.s32 $0x1BFF;
	s21 =	sshll.u32 s6, $0x1;
	s3 =	sadd.s32 s4, s19  }
0x9c: {  	s7 =	simm.s32 $0x0;
	s20 =	sshll.u32 s5, $0x1;
	s5 =	sadd.s32 s21, s3  }
0x9d: {  	[timem:s7], [sflag:s22] =	dma.local [hbm:s5], s20  }
0x9e: {  	_ =	swait.ge [sflag:s22], s20  }
0x9f: {  	s4 =	ssub.s32 $0x0, s20;
	[sflag:s22] =	ssyncset.done $0x0  }
0xa0: {  	[sflag:s22] =	ssyncadd.s32 s4;
	_ =	sdelay $0x1  }
0xa1: {  	s23 =	simm.s32 $0x1B8B  }
0xa2: {  	_ =	swait.ge [sflag:s23], $0x1  }
0xa3: {  	[sflag:s23] =	ssyncset.done $0x0  }
0xa4: {  	s25 =	simm.s32 $0x1B8E;
	s24 =	sld [smem:$0x3FFE];
	[sflag:s23] =	ssyncadd.s32 $0xFFFFFFFF  }
0xa5: {  	s26 =	simm.s32 $execute0_lowered;
	[smem:$0x3FD2] =	sst s25  }
0xa6: {  	s5 =	sshll.u32 s26, $0x1;
	_ =	strace $0x80000046;
	[dreg:$0x1] =	wrdreg $0xFFFFFFFF  }
0xa7: {  	s28 =	simm.s32 $_size_execute0_lowered;
	s3 =	sadd.s32 s3, s5;
	[dreg:$0x0] =	wrdreg $0x0  }
0xa8: {  	s5 =	sshll.u32 s28, $0x1;
	[dreg:$0x2] =	wrdreg s3  }
0xa9: {  	[dreg:$0x3] =	wrdreg s5  }
0xaa: {  	[dreg:$0x4] =	wrdreg $0xC0  }
0xab: {  	_ =	task [dreg:s7], $0x5FFFF  }
0xac: {  	[dreg:$0x1] =	wrdreg $0xFFFFFFFF  }
0xad: {  	[dreg:$0x0] =	wrdreg $0x60  }
0xae: {  	[dreg:$0x2] =	wrdreg s2  }
0xaf: {  	[dreg:$0x3] =	wrdreg s24  }
0xb0: {  	[dreg:$0x4] =	wrdreg $0x9  }
0xb1: {  	_ =	task.clear_ibuf [dreg:s7], $0x5FFFF;
	_ =	strace $0x90000046  }
0xb2: {  	s29 =	simm.s32 $0x9;
	_ =	strace $0x80000048  }
0xb3: {  	_ =	swait.ge [sflag:s29], $0x1  }
0xb4: {  	[sflag:s29] =	ssyncadd.s32 $0xFFFFFFFF  }
0xb5: {  	_ =	strace $0x90000048  }
0xb6: {  	_ =	sfence  }
0xb7: {  	s30 =	sld [smem:$0x0];
	_ =	sdelay $0x2  }
0xb8: {  	s31 =	sshll.u32 s1, $0xD;
	s1 =	sshrl.u32 s1, $0x2  }
0xb9: {  	s3 =	sand.u32 $0x4000, s31;
	s1 =	sadd.s32 s1, s30  }
0xba: {  	s0 =	sor.u32 s3, s0;
	s1 =	sshll.u32 s1, $0x11  }
0xbb: {  	s0 =	sor.u32 s1, s0  }
0xbc: {  	s0 =	sadd.s32 $0x8F2B, s0  }
0xbd: {  	[sflag:s0] =	ssyncadd.remote.s32 $0x1  }
0xbe: {  	_ =	sfence.sel $0xFFFF  }
0xbf: {  	[dreg:$0x0] =	wrdreg $0xFFFFFFFF;
	(pc) =	sbr.abs _section_cstart, $3  }
0xc0: {  	[dreg:$0x1] =	wrdreg $0xFFFFFFFF  }
0xc1: {  	_ =	task.clear_ibuf [dreg:s7], $0x2FFFF;
	_ =	strace $0x9FFFFFFF  }
0xc2: {  	(tm) =	ssettm $0x7FFFFFFF  }
0xc3: {  	_ =	shalt  }
tec
execute0_lowered:
.L_overlay_start_1:
0x0: {  	(tag) =	ssettag $0x1  }
0x1: {  	s2 =	rddreg [dreg:$0x0]  }
0x2: {  	s4 =	rddreg [dreg:$0x1]  }
0x3: {  	s0 =	rddreg [dreg:$0x2];
	s5 =	srdreg.scid  }
0x4: {  	s1 =	stileid.u32;
	s3 =	simm.s32 $0x0;
	s10 =	simm.s32 $0x3E8  }
0x5: {  	s11 =	simm.s32 $0x7D0;
	s12 =	simm.s32 $0x4650;
	s6 =	smul.u32 $0xC350, s1  }
0x6: {  	s13 =	simm.s32 $0x0;
	s5 =	sand.u32 $0x1, s5;
	s8 =	smul.u32 $0x186A0, s1  }
0x7: {  	[smem:$0x7FF] =	sst s3;
	s7 =	smul.u32 $0x61A8, s5;
	s9 =	ssub.s32 $0x2, s5  }
0x8: {  	_ =	strace $0x80000047;
	s5 =	smul.u32 $0xC350, s5;
	s29 =	sshrl.u32 s9, $0x1  }
0x9: {  	s8 =	sadd.s32 s8, s4;
	s6 =	sadd.s32 s7, s6;
	s7 =	ssub.s32 s9, s29  }
0xa: {  	s31 =	sadd.s32 s5, s8;
	s9 =	simm.s32 $0x1;
	s6 =	sshrl.u32 s6, $0x3  }
0xb: {  	s5 =	sadd.s32 $0x1BA800, s31;
	s30 =	sadd.s32 s6, s4;
	s4 =	smax.u32 s7, $0x1  }
0xc: {  	s6 =	sadd.s32 $0x33E00, s31;
	s7 =	sadd.s32 $0x2E00, s30;
	s8 =	sadd.s32 $0x1B600, s30  }
.LBB2_1:
0xd: {  	s14 =	sadd.s32 $0x0, s8  }
0xe: {  	[tilespmem:s3], [sflag:$0x1] =	stream.linear.gather [hbm4b:s14+s3], $0x3E8, $0x38;
	[tilespmem:$0x84D0] =	vst v63  }
0xf: {  	_ =	swait.ge [sflag:s9], $0x3E8  }
0x10: {  	[sflag:s9] =	ssyncset.done $0x0  }
0x11: {  	s31 =	sadd.s32 $0x0, s7;
	[sflag:s9] =	ssyncadd.s32 $0xFFFFFC18  }
0x12: {  	[tilespmem:s10], [sflag:$0x1] =	stream.linear.gather [hbm4b:s31+s3], $0x3E8, $0x38;
	[tilespmem:$0x84D0] =	vst v63  }
0x13: {  	_ =	swait.ge [sflag:s9], $0x3E8  }
0x14: {  	[sflag:s9] =	ssyncset.done $0x0  }
0x15: {  	[sflag:s9] =	ssyncadd.s32 $0xFFFFFC18  }
0x16: {  	[tilespmem:s11], [sflag:$0x1] =	stream.indirect.gather [hbm4b:s2+s10], $0x10, s3, s10, $0xb8;
	[tilespmem:$0x84D0] =	vst v63  }
0x17: {  	_ =	swait.ge [sflag:s9], $0x3E80  }
0x18: {  	[sflag:s9] =	ssyncset.done $0x0  }
0x19: {  	[sflag:s9] =	ssyncadd.s32 $0xFFFFC180  }
0x1a: {  	[tilespmem:s12], [sflag:$0x1] =	stream.indirect.gather [hbm4b:s2+s10], $0x10, s10, s10, $0xb8;
	[tilespmem:$0x84D0] =	vst v63  }
0x1b: {  	_ =	swait.ge [sflag:s9], $0x3E80  }
0x1c: {  	[sflag:s9] =	ssyncset.done $0x0  }
0x1d: {  	[sflag:s9] =	ssyncadd.s32 $0xFFFFC180  }
0x1e: {  	[hbm4b:s6+s3] =	stream.linear.scatter [tilespmem:s11], [sflag:$0x1], $0x3E80, $0x38;
	[tilespmem:$0x84D0] =	vst v63  }
0x1f: {  	_ =	swait.ge [sflag:s9], $0x3E80  }
0x20: {  	[sflag:s9] =	ssyncset.done $0x0  }
0x21: {  	[sflag:s9] =	ssyncadd.s32 $0xFFFFC180  }
0x22: {  	[hbm4b:s5+s3] =	stream.linear.scatter [tilespmem:s12], [sflag:$0x1], $0x3E80, $0x38;
	[tilespmem:$0x84D0] =	vst v63  }
0x23: {  	s16 =	simm.s32 $0x7D;
	s17 =	simm.s32 $0xFA;
	_ =	swait.ge [sflag:s9], $0x3E80  }
0x24: {  	s15 =	sadd.s32 $0x7D0, s6;
	s14 =	sadd.s32 $0x7D0, s5;
	[sflag:s9] =	ssyncset.done $0x0  }
.LBB2_2:
0x25: {  	s18 =	sadd.s32 s16, s8  }
0x26: {  	[sflag:s9] =	ssyncadd.s32 $0xFFFFC180;
	s19 =	smov.u32 s17;
	s20 =	sadd.s32 $0x7D, s17  }
0x27: {  	[tilespmem:s3], [sflag:$0x1] =	stream.linear.gather [hbm4b:s18+s3], $0x3E8, $0x38;
	[tilespmem:$0x84D0] =	vst v63  }
0x28: {  	p0 =	sne.s32 s17, $0xBB8;
	_ =	swait.ge [sflag:s9], $0x3E8  }
0x29: {  	[sflag:s9] =	ssyncset.done $0x0  }
0x2a: {  	s17 =	sadd.s32 s16, s7;
	s16 =	smov.u32 s19;
	[sflag:s9] =	ssyncadd.s32 $0xFFFFFC18  }
0x2b: {  	[tilespmem:s10], [sflag:$0x1] =	stream.linear.gather [hbm4b:s17+s3], $0x3E8, $0x38;
	[tilespmem:$0x84D0] =	vst v63  }
0x2c: {  	_ =	swait.ge [sflag:s9], $0x3E8  }
0x2d: {  	[sflag:s9] =	ssyncset.done $0x0  }
0x2e: {  	[sflag:s9] =	ssyncadd.s32 $0xFFFFFC18  }
0x2f: {  	[tilespmem:s11], [sflag:$0x1] =	stream.indirect.gather [hbm4b:s2+s10], $0x10, s3, s10, $0xb8;
	[tilespmem:$0x84D0] =	vst v63  }
0x30: {  	_ =	swait.ge [sflag:s9], $0x3E80  }
0x31: {  	[sflag:s9] =	ssyncset.done $0x0  }
0x32: {  	[sflag:s9] =	ssyncadd.s32 $0xFFFFC180  }
0x33: {  	[tilespmem:s12], [sflag:$0x1] =	stream.indirect.gather [hbm4b:s2+s10], $0x10, s10, s10, $0xb8;
	[tilespmem:$0x84D0] =	vst v63  }
0x34: {  	_ =	swait.ge [sflag:s9], $0x3E80  }
0x35: {  	[sflag:s9] =	ssyncset.done $0x0  }
0x36: {  	[sflag:s9] =	ssyncadd.s32 $0xFFFFC180  }
0x37: {  	[hbm4b:s15+s3] =	stream.linear.scatter [tilespmem:s11], [sflag:$0x1], $0x3E80, $0x38;
	[tilespmem:$0x84D0] =	vst v63  }
0x38: {  	_ =	swait.ge [sflag:s9], $0x3E80  }
.Ltmp0:
0x39: {  	[sflag:s9] =	ssyncset.done $0x0;
	(pc) =	sbr.rel @p0 .LBB2_2-.Ltmp0, $4  }
0x3a: {  	[sflag:s9] =	ssyncadd.s32 $0xFFFFC180  }
0x3b: {  	[hbm4b:s14+s3] =	stream.linear.scatter [tilespmem:s12], [sflag:$0x1], $0x3E80, $0x38;
	[tilespmem:$0x84D0] =	vst v63  }
0x3c: {  	s17 =	smov.u32 s20;
	_ =	swait.ge [sflag:s9], $0x3E80  }
0x3d: {  	s15 =	sadd.s32 $0x7D0, s15;
	s14 =	sadd.s32 $0x7D0, s14;
	[sflag:s9] =	ssyncset.done $0x0  }
0x3e: {  	s17 =	sadd.s32 s16, s8;
	[sflag:s9] =	ssyncadd.s32 $0xFFFFC180  }
0x3f: {  	[tilespmem:s3], [sflag:$0x1] =	stream.linear.gather [hbm4b:s17+s3], $0x3E8, $0x38;
	[tilespmem:$0x84D0] =	vst v63  }
0x40: {  	_ =	swait.ge [sflag:s9], $0x3E8  }
0x41: {  	[sflag:s9] =	ssyncset.done $0x0  }
0x42: {  	s31 =	sadd.s32 s16, s7;
	[sflag:s9] =	ssyncadd.s32 $0xFFFFFC18  }
0x43: {  	[tilespmem:s10], [sflag:$0x1] =	stream.linear.gather [hbm4b:s31+s3], $0x3E8, $0x38;
	[tilespmem:$0x84D0] =	vst v63  }
0x44: {  	_ =	swait.ge [sflag:s9], $0x3E8  }
0x45: {  	[sflag:s9] =	ssyncset.done $0x0  }
0x46: {  	[sflag:s9] =	ssyncadd.s32 $0xFFFFFC18  }
0x47: {  	[tilespmem:s11], [sflag:$0x1] =	stream.indirect.gather [hbm4b:s2+s10], $0x10, s3, s10, $0xb8;
	[tilespmem:$0x84D0] =	vst v63  }
0x48: {  	_ =	swait.ge [sflag:s9], $0x3E80  }
0x49: {  	[sflag:s9] =	ssyncset.done $0x0  }
0x4a: {  	[sflag:s9] =	ssyncadd.s32 $0xFFFFC180  }
0x4b: {  	[tilespmem:s12], [sflag:$0x1] =	stream.indirect.gather [hbm4b:s2+s10], $0x10, s10, s10, $0xb8;
	[tilespmem:$0x84D0] =	vst v63  }
0x4c: {  	_ =	swait.ge [sflag:s9], $0x3E80  }
0x4d: {  	[sflag:s9] =	ssyncset.done $0x0  }
0x4e: {  	[sflag:s9] =	ssyncadd.s32 $0xFFFFC180  }
0x4f: {  	[hbm4b:s15+s3] =	stream.linear.scatter [tilespmem:s11], [sflag:$0x1], $0x3E80, $0x38;
	[tilespmem:$0x84D0] =	vst v63  }
0x50: {  	s13 =	sadd.s32 $0x1, s13;
	_ =	swait.ge [sflag:s9], $0x3E80  }
0x51: {  	p0 =	sne.s32 s13, s4;
	[sflag:s9] =	ssyncset.done $0x0  }
.Ltmp1:
0x52: {  	[sflag:s9] =	ssyncadd.s32 $0xFFFFC180;
	(pc) =	sbr.rel @p0 .LBB2_1-.Ltmp1, $4  }
0x53: {  	[hbm4b:s14+s3] =	stream.linear.scatter [tilespmem:s12], [sflag:$0x1], $0x3E80, $0x38;
	[tilespmem:$0x84D0] =	vst v63  }
0x54: {  	_ =	swait.ge [sflag:s9], $0x3E80  }
0x55: {  	[sflag:s9] =	ssyncset.done $0x0  }
0x56: {  	[sflag:s9] =	ssyncadd.s32 $0xFFFFC180  }
0x57: {  	_ =	sfence.sel $0x180000  }
0x58: {  	[bflag:$0x0] =	sbarrier.arrive $0xFFFF  }
0x59: {  	p0 =	sne.s32 s1, $0x0;
	_ =	strace $0x90000047  }
0x5a: {  	s0 =	sadd.s32 @!p0 $0x100000, s0;
	[bflag:$0x2] =	sbarrier.arrive $0xFFFF  }
0x5b: {  	[sflag:s0] =	ssyncadd.tile.s32 @!p0 $0x1;
	_ =	shalt  }
.Lfunc_end2:
_tile_overlayer_lowered:
.L_overlay_start_2:
0x5c: {  	(tag) =	ssettag $0x2  }
0x5d: {  	s0 =	rddreg [dreg:$0x0];
	s2 =	stileid.u32  }
0x5e: {  	s1 =	rddreg [dreg:$0x1];
	p0 =	sne.s32 s2, $0x0  }
0x5f: {  	s3 =	rddreg [dreg:$0x2];
	[bflag:$0x3] =	sbarrier.arrive $0xFFFF;
	s2 =	simm.s32 @!p0 $0x1C01  }
0x60: {  	[timem:s3], [sflag:s2] =	dma.local @!p0 [hbm:s0], s1  }
0x61: {  	s0 =	simm.s32 @!p0 $0x1  }
0x62: {  	_ =	swait.ge @!p0 [sflag:s0], s1  }
0x63: {  	s1 =	ssub.s32 @!p0 $0x0, s1;
	[sflag:s0] =	ssyncset.done @!p0 $0x0  }
0x64: {  	[sflag:s0] =	ssyncadd.s32 @!p0 s1  }
0x65: {  	[bflag:$0x3] =	sbarrier.arrive $0xFFFF  }
0x66: {  	_ =	shalt  }

</sc_bundles>
